<compile_context>
chip_gen: v7x
topology: tpu7x:2x2x1
jax: 0.10.2.dev20260603
libtpu: 0.0.44.dev20260713+nightly
codegen_flags: <defaults>
</compile_context>

<pallas_src>
import functools

import jax
import jax.numpy as jnp
from jax import lax
from jax.experimental import pallas as pl
from jax.experimental.pallas import tpu as pltpu
from jax.experimental.pallas import tpu_sc as plsc

B, T, V, D, U = 1024, 200, 100000, 128, 64
G = 4 * U
N = B * T


def _sc_gather(emb, idx3):
    info = plsc.get_sparse_core_info()
    nw = info.num_cores * info.num_subcores
    nch, ch = idx3.shape[1], idx3.shape[2]
    per_w = nch * ch
    mesh = plsc.VectorSubcoreMesh(core_axis_name="c", subcore_axis_name="s")

    @functools.partial(
        pl.kernel,
        mesh=mesh,
        compiler_params=pltpu.CompilerParams(use_tc_tiling_on_sc=False),
        out_type=jax.ShapeDtypeStruct((N, D), jnp.float32),
        scratch_types=[
            pltpu.VMEM((nch, ch), jnp.int32),
            pltpu.VMEM((ch, D), jnp.float32),
            pltpu.VMEM((ch, D), jnp.float32),
            pltpu.SemaphoreType.DMA,
            pltpu.SemaphoreType.DMA,
        ],
    )
    def k(emb_hbm, idx_hbm, out_hbm, idx_v, rows_a, rows_b, sem_a, sem_b):
        wid = lax.axis_index("s") * info.num_cores + lax.axis_index("c")
        base = pl.multiple_of(wid * per_w, 8)
        pltpu.sync_copy(idx_hbm.at[wid], idx_v)
        bufs = ((rows_a, sem_a), (rows_b, sem_b))

        def gather(c, buf, sem):
            return pltpu.async_copy(emb_hbm.at[idx_v.at[c]], buf, sem)

        gather(0, *bufs[0]).wait()
        for c in range(1, nch):
            cp = gather(c, *bufs[c % 2])
            prev = bufs[(c - 1) % 2][0]
            pltpu.sync_copy(
                prev, out_hbm.at[pl.ds(pl.multiple_of(base + (c - 1) * ch, 8), ch)]
            )
            cp.wait()
        pltpu.sync_copy(
            bufs[(nch - 1) % 2][0],
            out_hbm.at[pl.ds(pl.multiple_of(base + (nch - 1) * ch, 8), ch)],
        )

    return k(emb, idx3)


def _tanh(x):
    return jnp.tanh(x)


def _sigmoid(x):
    return jax.nn.sigmoid(x)


def _rbf16(x):
    u = jax.lax.bitcast_convert_type(x, jnp.uint32)
    u = (u + jnp.uint32(0x7FFF) + ((u >> jnp.uint32(16)) & jnp.uint32(1)))
    u = u & jnp.uint32(0xFFFF0000)
    return jax.lax.bitcast_convert_type(u, jnp.float32)


def _bdot(a, b):
    return jnp.dot(_rbf16(a), b, preferred_element_type=jnp.float32)


def _cell(x, W_ref, U_ref, b_ref, h_ref, c_ref):
    z = _bdot(x, W_ref[...])
    z = z + _bdot(h_ref[...], U_ref[...])
    z = z + b_ref[...]
    i = _sigmoid(z[:, 0 * U:1 * U])
    f = _sigmoid(z[:, 1 * U:2 * U])
    g = _tanh(z[:, 2 * U:3 * U])
    o = _sigmoid(z[:, 3 * U:4 * U])
    c = f * c_ref[...] + i * g
    h = o * _tanh(c)
    c_ref[...] = c
    h_ref[...] = h
    return h


def _layer1_kernel(xf, xb, Wf, Uf, bf, Wb, Ub, bb, of, ob, hf, cf, hb, cb):
    t = pl.program_id(0)

    @pl.when(t == 0)
    def _():
        for r in (hf, cf, hb, cb):
            r[...] = jnp.zeros_like(r)

    of[0] = _cell(xf[0], Wf, Uf, bf, hf, cf)
    ob[0] = _cell(xb[0], Wb, Ub, bb, hb, cb)


def _layer1(x_tm, W1f, U1f, b1f, W1b, U1b, b1b):
    wspec = lambda s: pl.BlockSpec(s, lambda t: (0,) * len(s))
    return pl.pallas_call(
        _layer1_kernel,
        grid=(T,),
        in_specs=[
            pl.BlockSpec((1, B, D), lambda t: (t, 0, 0)),
            pl.BlockSpec((1, B, D), lambda t: (T - 1 - t, 0, 0)),
            wspec((D, G)), wspec((U, G)), wspec((1, G)),
            wspec((D, G)), wspec((U, G)), wspec((1, G)),
        ],
        out_specs=[
            pl.BlockSpec((1, B, U), lambda t: (t, 0, 0)),
            pl.BlockSpec((1, B, U), lambda t: (T - 1 - t, 0, 0)),
        ],
        out_shape=[jax.ShapeDtypeStruct((T, B, U), jnp.float32)] * 2,
        scratch_shapes=[pltpu.VMEM((B, U), jnp.float32)] * 4,
    )(x_tm, x_tm, W1f, U1f, b1f.reshape(1, G), W1b, U1b, b1b.reshape(1, G))


def _layer2_kernel(f1t, b1t, f1s, b1s,
                   Wfa, Wfb, Uf, bf, Wba, Wbb, Ub, bb,
                   Wdf, Wdb, bd, out, hf, cf, hb, cb, acc):
    t = pl.program_id(0)

    @pl.when(t == 0)
    def _():
        for r in (hf, cf, hb, cb, acc):
            r[...] = jnp.zeros_like(r)

    def cell2(xa, xb_, Wa, Wb_, U_ref, b_ref, h_ref, c_ref):
        z = _bdot(xa, Wa[...])
        z = z + _bdot(xb_, Wb_[...])
        z = z + _bdot(h_ref[...], U_ref[...])
        z = z + b_ref[...]
        i = _sigmoid(z[:, 0 * U:1 * U])
        f = _sigmoid(z[:, 1 * U:2 * U])
        g = _tanh(z[:, 2 * U:3 * U])
        o = _sigmoid(z[:, 3 * U:4 * U])
        c = f * c_ref[...] + i * g
        h = o * _tanh(c)
        c_ref[...] = c
        h_ref[...] = h
        return h

    h2f = cell2(f1t[0], b1t[0], Wfa, Wfb, Uf, bf, hf, cf)
    h2b = cell2(f1s[0], b1s[0], Wba, Wbb, Ub, bb, hb, cb)
    acc[...] = acc[...] + _bdot(h2f, Wdf[0]) + _bdot(h2b, Wdb[0])

    @pl.when(t == T - 1)
    def _():
        logits = acc[...] + bd[...]
        m = jnp.max(logits, axis=-1, keepdims=True)
        e = jnp.exp(logits - m)
        out[...] = e / jnp.sum(e, axis=-1, keepdims=True)


def _layer2(f1, b1, W2f, U2f, b2f, W2b, U2b, b2b, Wd, bd):
    wspec = lambda s: pl.BlockSpec(s, lambda t: (0,) * len(s))
    Wd3 = Wd.reshape(T, 2 * U, 3)
    return pl.pallas_call(
        _layer2_kernel,
        grid=(T,),
        in_specs=[
            pl.BlockSpec((1, B, U), lambda t: (t, 0, 0)),
            pl.BlockSpec((1, B, U), lambda t: (t, 0, 0)),
            pl.BlockSpec((1, B, U), lambda t: (T - 1 - t, 0, 0)),
            pl.BlockSpec((1, B, U), lambda t: (T - 1 - t, 0, 0)),
            wspec((U, G)), wspec((U, G)), wspec((U, G)), wspec((1, G)),
            wspec((U, G)), wspec((U, G)), wspec((U, G)), wspec((1, G)),
            pl.BlockSpec((1, U, 3), lambda t: (t, 0, 0)),
            pl.BlockSpec((1, U, 3), lambda t: (T - 1 - t, 0, 0)),
            wspec((1, 3)),
        ],
        out_specs=pl.BlockSpec((B, 3), lambda t: (0, 0)),
        out_shape=jax.ShapeDtypeStruct((B, 3), jnp.float32),
        scratch_shapes=[pltpu.VMEM((B, U), jnp.float32)] * 4
        + [pltpu.VMEM((B, 3), jnp.float32)],
    )(f1, b1, f1, b1,
      W2f[:U], W2f[U:], U2f, b2f.reshape(1, G),
      W2b[:U], W2b[U:], U2b, b2b.reshape(1, G),
      Wd3[:, :U, :], Wd3[:, U:, :], bd.reshape(1, 3))


def kernel(x, emb, W1f, U1f, b1f, W1b, U1b, b1b,
           W2f, U2f, b2f, W2b, U2b, b2b, Wd, bd):
    nw, ch = 32, 320
    nch = N // (nw * ch)
    idx3 = x.T.reshape(nw, nch, ch)
    rows = _sc_gather(emb, idx3)
    x_tm = rows.reshape(T, B, D)
    rb = lambda w: w.astype(jnp.bfloat16).astype(jnp.float32)
    f1, b1 = _layer1(x_tm, rb(W1f), rb(U1f), b1f, rb(W1b), rb(U1b), b1b)
    return _layer2(f1, b1, rb(W2f), rb(U2f), b2f, rb(W2b), rb(U2b), b2b,
                   rb(Wd), bd)

# --- scband reference (transcript-rebuilt; emitter-appended) ---
"""Pipeline reference for scband-lstmmodel-16192026706604 (READ-ONLY COPY).

The authoritative reference and input builder live on the scoring server;
editing this copy changes nothing except your own understanding.
"""

import jax, jax.numpy as jnp
import numpy as np

B, T, V, D, U = 1024, 200, 100000, 128, 64

def setup_inputs(seed: int = 0):
    key = jax.random.key(seed)
    ks = jax.random.split(key, 20)
    def p(k, shape, scale=0.05):
        return jax.random.normal(k, shape, dtype=jnp.float32) * scale
    inp = {}
    inp['x'] = jax.random.randint(ks[0], (B, T), 0, V, dtype=jnp.int32)
    inp['emb'] = p(ks[1], (V, D))
    # BiLSTM 1: input dim D, units U (keras gate order i,f,c,o packed in 4*U)
    inp['W1f'] = p(ks[2], (D, 4 * U)); inp['U1f'] = p(ks[3], (U, 4 * U)); inp['b1f'] = jnp.zeros((4 * U,), jnp.float32)
    inp['W1b'] = p(ks[4], (D, 4 * U)); inp['U1b'] = p(ks[5], (U, 4 * U)); inp['b1b'] = jnp.zeros((4 * U,), jnp.float32)
    # BiLSTM 2: input dim 2*U (concat), units U
    inp['W2f'] = p(ks[6], (2 * U, 4 * U)); inp['U2f'] = p(ks[7], (U, 4 * U)); inp['b2f'] = jnp.zeros((4 * U,), jnp.float32)
    inp['W2b'] = p(ks[8], (2 * U, 4 * U)); inp['U2b'] = p(ks[9], (U, 4 * U)); inp['b2b'] = jnp.zeros((4 * U,), jnp.float32)
    # Dense: Flatten([B, T, 2U]) -> 3 classes
    inp['Wd'] = p(ks[10], (T * 2 * U, 3)); inp['bd'] = jnp.zeros((3,), jnp.float32)
    return inp

def _lstm(x, W, Uk, b):
    # x: [B, T, D_in] -> hs: [B, T, U]; keras LSTM, gates order i,f,c,o
    bsz = x.shape[0]
    units = Uk.shape[0]
    def step(carry, xt):
        h, c = carry
        z = xt @ W + h @ Uk + b
        i, f, g, o = jnp.split(z, 4, axis=-1)
        i = jax.nn.sigmoid(i); f = jax.nn.sigmoid(f)
        g = jnp.tanh(g); o = jax.nn.sigmoid(o)
        c = f * c + i * g
        h = o * jnp.tanh(c)
        return (h, c), h
    init = (jnp.zeros((bsz, units), x.dtype), jnp.zeros((bsz, units), x.dtype))
    xs = jnp.swapaxes(x, 0, 1)
    _, hs = jax.lax.scan(step, init, xs)
    return jnp.swapaxes(hs, 0, 1)

def _bidir(x, Wf, Uf, bf, Wb, Ub, bb):
    fwd = _lstm(x, Wf, Uf, bf)
    bwd = _lstm(x[:, ::-1, :], Wb, Ub, bb)[:, ::-1, :]
    return jnp.concatenate([fwd, bwd], axis=-1)

def reference(x, emb, W1f, U1f, b1f, W1b, U1b, b1b, W2f, U2f, b2f, W2b, U2b, b2b, Wd, bd):
    h = jnp.take(emb, x, axis=0)          # Embedding; Dropout is identity at inference
    h = _bidir(h, W1f, U1f, b1f, W1b, U1b, b1b)
    h = _bidir(h, W2f, U2f, b2f, W2b, U2b, b2b)
    h = h.reshape(h.shape[0], -1)          # Flatten
    logits = h @ Wd + bd
    return jax.nn.softmax(logits, axis=-1)

if __name__ == "__main__":
    import jax
    _d = setup_inputs()
    print(jax.jit(kernel)(*tuple(_d.values())))

</pallas_src>

<mosaic_0001>
#map = affine_map<(d0, d1) -> (0, 0)>
#map1 = affine_map<(d0, d1) -> (0, 0, 0)>
module attributes {stable_mosaic.version = 14 : i64} {
  func.func @k(%arg0: i32, %arg1: i32, %arg2: memref<100000x128xf32, #tpu.memory_space<hbm>>, %arg3: memref<32x20x320xi32, #tpu.memory_space<hbm>>, %arg4: memref<204800x128xf32, #tpu.memory_space<hbm>>, %arg5: memref<20x320xi32, #tpu.memory_space<vmem>>, %arg6: memref<320x128xf32, #tpu.memory_space<vmem>>, %arg7: memref<320x128xf32, #tpu.memory_space<vmem>>, %arg8: memref<!tpu.dma_semaphore, #tpu.memory_space<semaphore_mem>>, %arg9: memref<!tpu.dma_semaphore, #tpu.memory_space<semaphore_mem>>) attributes {dimension_semantics = [#tpu.dimension_semantics<core_parallel>, #tpu.dimension_semantics<subcore_parallel>], iteration_bounds = array<i64: 2, 16>, scalar_prefetch = 0 : i64, scratch_operands = 5 : i64, tpu.core_type = #tpu.core_type<sc_vector_subcore>, window_params = [{transform_indices = #map}, {transform_indices = #map1}, {transform_indices = #map}]} {
    %mul3A = arith.constant 2 : i32
    %mul3A_0 = arith.muli %arg1, %mul3A : i32
    %add3A = arith.addi %mul3A_0, %arg0 : i32
    %mul3A_1 = arith.constant 6400 : i32
    %mul3A_2 = arith.muli %add3A, %mul3A_1 : i32
    %multiple_of3A = tpu.assume_multiple %mul3A_2, 8 : i32
    "tpu.region"() ({
      %run_scoped3A = tpu.sem_alloc : memref<!tpu.dma_semaphore, #tpu.memory_space<semaphore_mem>>
      %dma_start3A_341 = arith.constant 0 : i32
      %dma_start3A_342 = arith.constant 0 : i32
      %dma_start3A_343 = tpu.memref_slice %arg3[%add3A, %dma_start3A_341, %dma_start3A_342] : memref<32x20x320xi32, #tpu.memory_space<hbm>> -> memref<1x20x320xi32, #tpu.memory_space<hbm>>
      %dma_start3A_344 = tpu.memref_squeeze %dma_start3A_343 : memref<1x20x320xi32, #tpu.memory_space<hbm>> -> memref<20x320xi32, #tpu.memory_space<hbm>>
      %dma_start3A_345 = arith.constant 0 : i32
      %dma_start3A_346 = arith.constant 0 : i32
      %dma_start3A_347 = tpu.memref_slice %arg3[%add3A, %dma_start3A_345, %dma_start3A_346] : memref<32x20x320xi32, #tpu.memory_space<hbm>> -> memref<1x20x320xi32, #tpu.memory_space<hbm>>
      %dma_start3A_348 = tpu.memref_squeeze %dma_start3A_347 : memref<1x20x320xi32, #tpu.memory_space<hbm>> -> memref<20x320xi32, #tpu.memory_space<hbm>>
      tpu.enqueue_dma source(%dma_start3A_348 : memref<20x320xi32, #tpu.memory_space<hbm>>) target(%arg5 : memref<20x320xi32, #tpu.memory_space<vmem>>) target_semaphore(%run_scoped3A : memref<!tpu.dma_semaphore, #tpu.memory_space<semaphore_mem>>)
      %dma_wait3A_349 = arith.constant 0 : i32
      %dma_wait3A_350 = arith.constant 0 : i32
      %dma_wait3A_351 = tpu.memref_slice %arg3[%add3A, %dma_wait3A_349, %dma_wait3A_350] : memref<32x20x320xi32, #tpu.memory_space<hbm>> -> memref<1x20x320xi32, #tpu.memory_space<hbm>>
      %dma_wait3A_352 = tpu.memref_squeeze %dma_wait3A_351 : memref<1x20x320xi32, #tpu.memory_space<hbm>> -> memref<20x320xi32, #tpu.memory_space<hbm>>
      %dma_wait3A_353 = arith.constant 0 : i32
      %dma_wait3A_354 = arith.constant 0 : i32
      %dma_wait3A_355 = tpu.memref_slice %arg3[%add3A, %dma_wait3A_353, %dma_wait3A_354] : memref<32x20x320xi32, #tpu.memory_space<hbm>> -> memref<1x20x320xi32, #tpu.memory_space<hbm>>
      %dma_wait3A_356 = tpu.memref_squeeze %dma_wait3A_355 : memref<1x20x320xi32, #tpu.memory_space<hbm>> -> memref<20x320xi32, #tpu.memory_space<hbm>>
      tpu.wait_dma2 semaphore(%run_scoped3A : memref<!tpu.dma_semaphore, #tpu.memory_space<semaphore_mem>>) src(%dma_wait3A_356 : memref<20x320xi32, #tpu.memory_space<hbm>>) dst(%arg5 : memref<20x320xi32, #tpu.memory_space<vmem>>)
      tpu.yield
    }) : () -> ()
    %dma_start3A = arith.constant 0 : i32
    %dma_start3A_3 = arith.constant 0 : i32
    %dma_start3A_4 = tpu.memref_slice %arg5[%dma_start3A, %dma_start3A_3] : memref<20x320xi32, #tpu.memory_space<vmem>> -> memref<1x320xi32, #tpu.memory_space<vmem>>
    %dma_start3A_5 = tpu.memref_squeeze %dma_start3A_4 : memref<1x320xi32, #tpu.memory_space<vmem>> -> memref<320xi32, #tpu.memory_space<vmem>>
    %dma_start3A_6 = arith.constant 0 : i32
    %dma_start3A_7 = arith.constant 0 : i32
    %dma_start3A_8 = tpu.memref_slice %arg2[%dma_start3A_6, %dma_start3A_7] : memref<100000x128xf32, #tpu.memory_space<hbm>> -> memref<100000x128xf32, #tpu.memory_space<hbm>>
    tpu.enqueue_indirect_dma source(%dma_start3A_8 : memref<100000x128xf32, #tpu.memory_space<hbm>>) target(%arg6 : memref<320x128xf32, #tpu.memory_space<vmem>>) offsets(%dma_start3A_5 : memref<320xi32, #tpu.memory_space<vmem>>) semaphore(%arg8 : memref<!tpu.dma_semaphore, #tpu.memory_space<semaphore_mem>>)
    %dma_wait3A = arith.constant 0 : i32
    %dma_wait3A_9 = arith.constant 0 : i32
    %dma_wait3A_10 = tpu.memref_slice %arg5[%dma_wait3A, %dma_wait3A_9] : memref<20x320xi32, #tpu.memory_space<vmem>> -> memref<1x320xi32, #tpu.memory_space<vmem>>
    %dma_wait3A_11 = tpu.memref_squeeze %dma_wait3A_10 : memref<1x320xi32, #tpu.memory_space<vmem>> -> memref<320xi32, #tpu.memory_space<vmem>>
    %dma_wait3A_12 = arith.constant 0 : i32
    %dma_wait3A_13 = arith.constant 0 : i32
    %dma_wait3A_14 = tpu.memref_slice %arg2[%dma_wait3A_12, %dma_wait3A_13] : memref<100000x128xf32, #tpu.memory_space<hbm>> -> memref<100000x128xf32, #tpu.memory_space<hbm>>
    tpu.wait_indirect_dma semaphore(%arg8 : memref<!tpu.dma_semaphore, #tpu.memory_space<semaphore_mem>>) src(%dma_wait3A_14 : memref<100000x128xf32, #tpu.memory_space<hbm>>) dst(%arg6 : memref<320x128xf32, #tpu.memory_space<vmem>>)
    %dma_start3A_15 = arith.constant 1 : i32
    %dma_start3A_16 = arith.constant 0 : i32
    %dma_start3A_17 = tpu.memref_slice %arg5[%dma_start3A_15, %dma_start3A_16] : memref<20x320xi32, #tpu.memory_space<vmem>> -> memref<1x320xi32, #tpu.memory_space<vmem>>
    %dma_start3A_18 = tpu.memref_squeeze %dma_start3A_17 : memref<1x320xi32, #tpu.memory_space<vmem>> -> memref<320xi32, #tpu.memory_space<vmem>>
    %dma_start3A_19 = arith.constant 0 : i32
    %dma_start3A_20 = arith.constant 0 : i32
    %dma_start3A_21 = tpu.memref_slice %arg2[%dma_start3A_19, %dma_start3A_20] : memref<100000x128xf32, #tpu.memory_space<hbm>> -> memref<100000x128xf32, #tpu.memory_space<hbm>>
    tpu.enqueue_indirect_dma source(%dma_start3A_21 : memref<100000x128xf32, #tpu.memory_space<hbm>>) target(%arg7 : memref<320x128xf32, #tpu.memory_space<vmem>>) offsets(%dma_start3A_18 : memref<320xi32, #tpu.memory_space<vmem>>) semaphore(%arg9 : memref<!tpu.dma_semaphore, #tpu.memory_space<semaphore_mem>>)
    %add3A_22 = arith.constant 0 : i32
    %add3A_23 = arith.addi %multiple_of3A, %add3A_22 : i32
    %multiple_of3A_24 = tpu.assume_multiple %add3A_23, 8 : i32
    "tpu.region"() ({
      %run_scoped3A = tpu.sem_alloc : memref<!tpu.dma_semaphore, #tpu.memory_space<semaphore_mem>>
      %dma_start3A_341 = arith.constant 0 : i32
      %dma_start3A_342 = tpu.memref_slice %arg4[%multiple_of3A_24, %dma_start3A_341] : memref<204800x128xf32, #tpu.memory_space<hbm>> -> memref<320x128xf32, #tpu.memory_space<hbm>>
      %dma_start3A_343 = arith.constant 0 : i32
      %dma_start3A_344 = tpu.memref_slice %arg4[%multiple_of3A_24, %dma_start3A_343] : memref<204800x128xf32, #tpu.memory_space<hbm>> -> memref<320x128xf32, #tpu.memory_space<hbm>>
      tpu.enqueue_dma source(%arg6 : memref<320x128xf32, #tpu.memory_space<vmem>>) target(%dma_start3A_344 : memref<320x128xf32, #tpu.memory_space<hbm>>) target_semaphore(%run_scoped3A : memref<!tpu.dma_semaphore, #tpu.memory_space<semaphore_mem>>)
      %dma_wait3A_345 = arith.constant 0 : i32
      %dma_wait3A_346 = tpu.memref_slice %arg4[%multiple_of3A_24, %dma_wait3A_345] : memref<204800x128xf32, #tpu.memory_space<hbm>> -> memref<320x128xf32, #tpu.memory_space<hbm>>
      %dma_wait3A_347 = arith.constant 0 : i32
      %dma_wait3A_348 = tpu.memref_slice %arg4[%multiple_of3A_24, %dma_wait3A_347] : memref<204800x128xf32, #tpu.memory_space<hbm>> -> memref<320x128xf32, #tpu.memory_space<hbm>>
      tpu.wait_dma2 semaphore(%run_scoped3A : memref<!tpu.dma_semaphore, #tpu.memory_space<semaphore_mem>>) src(%arg6 : memref<320x128xf32, #tpu.memory_space<vmem>>) dst(%dma_wait3A_348 : memref<320x128xf32, #tpu.memory_space<hbm>>)
      tpu.yield
    }) : () -> ()
    %dma_wait3A_25 = arith.constant 1 : i32
    %dma_wait3A_26 = arith.constant 0 : i32
    %dma_wait3A_27 = tpu.memref_slice %arg5[%dma_wait3A_25, %dma_wait3A_26] : memref<20x320xi32, #tpu.memory_space<vmem>> -> memref<1x320xi32, #tpu.memory_space<vmem>>
    %dma_wait3A_28 = tpu.memref_squeeze %dma_wait3A_27 : memref<1x320xi32, #tpu.memory_space<vmem>> -> memref<320xi32, #tpu.memory_space<vmem>>
    %dma_wait3A_29 = arith.constant 0 : i32
    %dma_wait3A_30 = arith.constant 0 : i32
    %dma_wait3A_31 = tpu.memref_slice %arg2[%dma_wait3A_29, %dma_wait3A_30] : memref<100000x128xf32, #tpu.memory_space<hbm>> -> memref<100000x128xf32, #tpu.memory_space<hbm>>
    tpu.wait_indirect_dma semaphore(%arg9 : memref<!tpu.dma_semaphore, #tpu.memory_space<semaphore_mem>>) src(%dma_wait3A_31 : memref<100000x128xf32, #tpu.memory_space<hbm>>) dst(%arg7 : memref<320x128xf32, #tpu.memory_space<vmem>>)
    %dma_start3A_32 = arith.constant 2 : i32
    %dma_start3A_33 = arith.constant 0 : i32
    %dma_start3A_34 = tpu.memref_slice %arg5[%dma_start3A_32, %dma_start3A_33] : memref<20x320xi32, #tpu.memory_space<vmem>> -> memref<1x320xi32, #tpu.memory_space<vmem>>
    %dma_start3A_35 = tpu.memref_squeeze %dma_start3A_34 : memref<1x320xi32, #tpu.memory_space<vmem>> -> memref<320xi32, #tpu.memory_space<vmem>>
    %dma_start3A_36 = arith.constant 0 : i32
    %dma_start3A_37 = arith.constant 0 : i32
    %dma_start3A_38 = tpu.memref_slice %arg2[%dma_start3A_36, %dma_start3A_37] : memref<100000x128xf32, #tpu.memory_space<hbm>> -> memref<100000x128xf32, #tpu.memory_space<hbm>>
    tpu.enqueue_indirect_dma source(%dma_start3A_38 : memref<100000x128xf32, #tpu.memory_space<hbm>>) target(%arg6 : memref<320x128xf32, #tpu.memory_space<vmem>>) offsets(%dma_start3A_35 : memref<320xi32, #tpu.memory_space<vmem>>) semaphore(%arg8 : memref<!tpu.dma_semaphore, #tpu.memory_space<semaphore_mem>>)
    %add3A_39 = arith.constant 320 : i32
    %add3A_40 = arith.addi %multiple_of3A, %add3A_39 : i32
    %multiple_of3A_41 = tpu.assume_multiple %add3A_40, 8 : i32
    "tpu.region"() ({
      %run_scoped3A = tpu.sem_alloc : memref<!tpu.dma_semaphore, #tpu.memory_space<semaphore_mem>>
      %dma_start3A_341 = arith.constant 0 : i32
      %dma_start3A_342 = tpu.memref_slice %arg4[%multiple_of3A_41, %dma_start3A_341] : memref<204800x128xf32, #tpu.memory_space<hbm>> -> memref<320x128xf32, #tpu.memory_space<hbm>>
      %dma_start3A_343 = arith.constant 0 : i32
      %dma_start3A_344 = tpu.memref_slice %arg4[%multiple_of3A_41, %dma_start3A_343] : memref<204800x128xf32, #tpu.memory_space<hbm>> -> memref<320x128xf32, #tpu.memory_space<hbm>>
      tpu.enqueue_dma source(%arg7 : memref<320x128xf32, #tpu.memory_space<vmem>>) target(%dma_start3A_344 : memref<320x128xf32, #tpu.memory_space<hbm>>) target_semaphore(%run_scoped3A : memref<!tpu.dma_semaphore, #tpu.memory_space<semaphore_mem>>)
      %dma_wait3A_345 = arith.constant 0 : i32
      %dma_wait3A_346 = tpu.memref_slice %arg4[%multiple_of3A_41, %dma_wait3A_345] : memref<204800x128xf32, #tpu.memory_space<hbm>> -> memref<320x128xf32, #tpu.memory_space<hbm>>
      %dma_wait3A_347 = arith.constant 0 : i32
      %dma_wait3A_348 = tpu.memref_slice %arg4[%multiple_of3A_41, %dma_wait3A_347] : memref<204800x128xf32, #tpu.memory_space<hbm>> -> memref<320x128xf32, #tpu.memory_space<hbm>>
      tpu.wait_dma2 semaphore(%run_scoped3A : memref<!tpu.dma_semaphore, #tpu.memory_space<semaphore_mem>>) src(%arg7 : memref<320x128xf32, #tpu.memory_space<vmem>>) dst(%dma_wait3A_348 : memref<320x128xf32, #tpu.memory_space<hbm>>)
      tpu.yield
    }) : () -> ()
    %dma_wait3A_42 = arith.constant 2 : i32
    %dma_wait3A_43 = arith.constant 0 : i32
    %dma_wait3A_44 = tpu.memref_slice %arg5[%dma_wait3A_42, %dma_wait3A_43] : memref<20x320xi32, #tpu.memory_space<vmem>> -> memref<1x320xi32, #tpu.memory_space<vmem>>
    %dma_wait3A_45 = tpu.memref_squeeze %dma_wait3A_44 : memref<1x320xi32, #tpu.memory_space<vmem>> -> memref<320xi32, #tpu.memory_space<vmem>>
    %dma_wait3A_46 = arith.constant 0 : i32
    %dma_wait3A_47 = arith.constant 0 : i32
    %dma_wait3A_48 = tpu.memref_slice %arg2[%dma_wait3A_46, %dma_wait3A_47] : memref<100000x128xf32, #tpu.memory_space<hbm>> -> memref<100000x128xf32, #tpu.memory_space<hbm>>
    tpu.wait_indirect_dma semaphore(%arg8 : memref<!tpu.dma_semaphore, #tpu.memory_space<semaphore_mem>>) src(%dma_wait3A_48 : memref<100000x128xf32, #tpu.memory_space<hbm>>) dst(%arg6 : memref<320x128xf32, #tpu.memory_space<vmem>>)
    %dma_start3A_49 = arith.constant 3 : i32
    %dma_start3A_50 = arith.constant 0 : i32
    %dma_start3A_51 = tpu.memref_slice %arg5[%dma_start3A_49, %dma_start3A_50] : memref<20x320xi32, #tpu.memory_space<vmem>> -> memref<1x320xi32, #tpu.memory_space<vmem>>
    %dma_start3A_52 = tpu.memref_squeeze %dma_start3A_51 : memref<1x320xi32, #tpu.memory_space<vmem>> -> memref<320xi32, #tpu.memory_space<vmem>>
    %dma_start3A_53 = arith.constant 0 : i32
    %dma_start3A_54 = arith.constant 0 : i32
    %dma_start3A_55 = tpu.memref_slice %arg2[%dma_start3A_53, %dma_start3A_54] : memref<100000x128xf32, #tpu.memory_space<hbm>> -> memref<100000x128xf32, #tpu.memory_space<hbm>>
    tpu.enqueue_indirect_dma source(%dma_start3A_55 : memref<100000x128xf32, #tpu.memory_space<hbm>>) target(%arg7 : memref<320x128xf32, #tpu.memory_space<vmem>>) offsets(%dma_start3A_52 : memref<320xi32, #tpu.memory_space<vmem>>) semaphore(%arg9 : memref<!tpu.dma_semaphore, #tpu.memory_space<semaphore_mem>>)
    %add3A_56 = arith.constant 640 : i32
    %add3A_57 = arith.addi %multiple_of3A, %add3A_56 : i32
    %multiple_of3A_58 = tpu.assume_multiple %add3A_57, 8 : i32
    "tpu.region"() ({
      %run_scoped3A = tpu.sem_alloc : memref<!tpu.dma_semaphore, #tpu.memory_space<semaphore_mem>>
      %dma_start3A_341 = arith.constant 0 : i32
      %dma_start3A_342 = tpu.memref_slice %arg4[%multiple_of3A_58, %dma_start3A_341] : memref<204800x128xf32, #tpu.memory_space<hbm>> -> memref<320x128xf32, #tpu.memory_space<hbm>>
      %dma_start3A_343 = arith.constant 0 : i32
      %dma_start3A_344 = tpu.memref_slice %arg4[%multiple_of3A_58, %dma_start3A_343] : memref<204800x128xf32, #tpu.memory_space<hbm>> -> memref<320x128xf32, #tpu.memory_space<hbm>>
      tpu.enqueue_dma source(%arg6 : memref<320x128xf32, #tpu.memory_space<vmem>>) target(%dma_start3A_344 : memref<320x128xf32, #tpu.memory_space<hbm>>) target_semaphore(%run_scoped3A : memref<!tpu.dma_semaphore, #tpu.memory_space<semaphore_mem>>)
      %dma_wait3A_345 = arith.constant 0 : i32
      %dma_wait3A_346 = tpu.memref_slice %arg4[%multiple_of3A_58, %dma_wait3A_345] : memref<204800x128xf32, #tpu.memory_space<hbm>> -> memref<320x128xf32, #tpu.memory_space<hbm>>
      %dma_wait3A_347 = arith.constant 0 : i32
      %dma_wait3A_348 = tpu.memref_slice %arg4[%multiple_of3A_58, %dma_wait3A_347] : memref<204800x128xf32, #tpu.memory_space<hbm>> -> memref<320x128xf32, #tpu.memory_space<hbm>>
      tpu.wait_dma2 semaphore(%run_scoped3A : memref<!tpu.dma_semaphore, #tpu.memory_space<semaphore_mem>>) src(%arg6 : memref<320x128xf32, #tpu.memory_space<vmem>>) dst(%dma_wait3A_348 : memref<320x128xf32, #tpu.memory_space<hbm>>)
      tpu.yield
    }) : () -> ()
    %dma_wait3A_59 = arith.constant 3 : i32
    %dma_wait3A_60 = arith.constant 0 : i32
    %dma_wait3A_61 = tpu.memref_slice %arg5[%dma_wait3A_59, %dma_wait3A_60] : memref<20x320xi32, #tpu.memory_space<vmem>> -> memref<1x320xi32, #tpu.memory_space<vmem>>
    %dma_wait3A_62 = tpu.memref_squeeze %dma_wait3A_61 : memref<1x320xi32, #tpu.memory_space<vmem>> -> memref<320xi32, #tpu.memory_space<vmem>>
    %dma_wait3A_63 = arith.constant 0 : i32
    %dma_wait3A_64 = arith.constant 0 : i32
    %dma_wait3A_65 = tpu.memref_slice %arg2[%dma_wait3A_63, %dma_wait3A_64] : memref<100000x128xf32, #tpu.memory_space<hbm>> -> memref<100000x128xf32, #tpu.memory_space<hbm>>
    tpu.wait_indirect_dma semaphore(%arg9 : memref<!tpu.dma_semaphore, #tpu.memory_space<semaphore_mem>>) src(%dma_wait3A_65 : memref<100000x128xf32, #tpu.memory_space<hbm>>) dst(%arg7 : memref<320x128xf32, #tpu.memory_space<vmem>>)
    %dma_start3A_66 = arith.constant 4 : i32
    %dma_start3A_67 = arith.constant 0 : i32
    %dma_start3A_68 = tpu.memref_slice %arg5[%dma_start3A_66, %dma_start3A_67] : memref<20x320xi32, #tpu.memory_space<vmem>> -> memref<1x320xi32, #tpu.memory_space<vmem>>
    %dma_start3A_69 = tpu.memref_squeeze %dma_start3A_68 : memref<1x320xi32, #tpu.memory_space<vmem>> -> memref<320xi32, #tpu.memory_space<vmem>>
    %dma_start3A_70 = arith.constant 0 : i32
    %dma_start3A_71 = arith.constant 0 : i32
    %dma_start3A_72 = tpu.memref_slice %arg2[%dma_start3A_70, %dma_start3A_71] : memref<100000x128xf32, #tpu.memory_space<hbm>> -> memref<100000x128xf32, #tpu.memory_space<hbm>>
    tpu.enqueue_indirect_dma source(%dma_start3A_72 : memref<100000x128xf32, #tpu.memory_space<hbm>>) target(%arg6 : memref<320x128xf32, #tpu.memory_space<vmem>>) offsets(%dma_start3A_69 : memref<320xi32, #tpu.memory_space<vmem>>) semaphore(%arg8 : memref<!tpu.dma_semaphore, #tpu.memory_space<semaphore_mem>>)
    %add3A_73 = arith.constant 960 : i32
    %add3A_74 = arith.addi %multiple_of3A, %add3A_73 : i32
    %multiple_of3A_75 = tpu.assume_multiple %add3A_74, 8 : i32
    "tpu.region"() ({
      %run_scoped3A = tpu.sem_alloc : memref<!tpu.dma_semaphore, #tpu.memory_space<semaphore_mem>>
      %dma_start3A_341 = arith.constant 0 : i32
      %dma_start3A_342 = tpu.memref_slice %arg4[%multiple_of3A_75, %dma_start3A_341] : memref<204800x128xf32, #tpu.memory_space<hbm>> -> memref<320x128xf32, #tpu.memory_space<hbm>>
      %dma_start3A_343 = arith.constant 0 : i32
      %dma_start3A_344 = tpu.memref_slice %arg4[%multiple_of3A_75, %dma_start3A_343] : memref<204800x128xf32, #tpu.memory_space<hbm>> -> memref<320x128xf32, #tpu.memory_space<hbm>>
      tpu.enqueue_dma source(%arg7 : memref<320x128xf32, #tpu.memory_space<vmem>>) target(%dma_start3A_344 : memref<320x128xf32, #tpu.memory_space<hbm>>) target_semaphore(%run_scoped3A : memref<!tpu.dma_semaphore, #tpu.memory_space<semaphore_mem>>)
      %dma_wait3A_345 = arith.constant 0 : i32
      %dma_wait3A_346 = tpu.memref_slice %arg4[%multiple_of3A_75, %dma_wait3A_345] : memref<204800x128xf32, #tpu.memory_space<hbm>> -> memref<320x128xf32, #tpu.memory_space<hbm>>
      %dma_wait3A_347 = arith.constant 0 : i32
      %dma_wait3A_348 = tpu.memref_slice %arg4[%multiple_of3A_75, %dma_wait3A_347] : memref<204800x128xf32, #tpu.memory_space<hbm>> -> memref<320x128xf32, #tpu.memory_space<hbm>>
      tpu.wait_dma2 semaphore(%run_scoped3A : memref<!tpu.dma_semaphore, #tpu.memory_space<semaphore_mem>>) src(%arg7 : memref<320x128xf32, #tpu.memory_space<vmem>>) dst(%dma_wait3A_348 : memref<320x128xf32, #tpu.memory_space<hbm>>)
      tpu.yield
    }) : () -> ()
    %dma_wait3A_76 = arith.constant 4 : i32
    %dma_wait3A_77 = arith.constant 0 : i32
    %dma_wait3A_78 = tpu.memref_slice %arg5[%dma_wait3A_76, %dma_wait3A_77] : memref<20x320xi32, #tpu.memory_space<vmem>> -> memref<1x320xi32, #tpu.memory_space<vmem>>
    %dma_wait3A_79 = tpu.memref_squeeze %dma_wait3A_78 : memref<1x320xi32, #tpu.memory_space<vmem>> -> memref<320xi32, #tpu.memory_space<vmem>>
    %dma_wait3A_80 = arith.constant 0 : i32
    %dma_wait3A_81 = arith.constant 0 : i32
    %dma_wait3A_82 = tpu.memref_slice %arg2[%dma_wait3A_80, %dma_wait3A_81] : memref<100000x128xf32, #tpu.memory_space<hbm>> -> memref<100000x128xf32, #tpu.memory_space<hbm>>
    tpu.wait_indirect_dma semaphore(%arg8 : memref<!tpu.dma_semaphore, #tpu.memory_space<semaphore_mem>>) src(%dma_wait3A_82 : memref<100000x128xf32, #tpu.memory_space<hbm>>) dst(%arg6 : memref<320x128xf32, #tpu.memory_space<vmem>>)
    %dma_start3A_83 = arith.constant 5 : i32
    %dma_start3A_84 = arith.constant 0 : i32
    %dma_start3A_85 = tpu.memref_slice %arg5[%dma_start3A_83, %dma_start3A_84] : memref<20x320xi32, #tpu.memory_space<vmem>> -> memref<1x320xi32, #tpu.memory_space<vmem>>
    %dma_start3A_86 = tpu.memref_squeeze %dma_start3A_85 : memref<1x320xi32, #tpu.memory_space<vmem>> -> memref<320xi32, #tpu.memory_space<vmem>>
    %dma_start3A_87 = arith.constant 0 : i32
    %dma_start3A_88 = arith.constant 0 : i32
    %dma_start3A_89 = tpu.memref_slice %arg2[%dma_start3A_87, %dma_start3A_88] : memref<100000x128xf32, #tpu.memory_space<hbm>> -> memref<100000x128xf32, #tpu.memory_space<hbm>>
    tpu.enqueue_indirect_dma source(%dma_start3A_89 : memref<100000x128xf32, #tpu.memory_space<hbm>>) target(%arg7 : memref<320x128xf32, #tpu.memory_space<vmem>>) offsets(%dma_start3A_86 : memref<320xi32, #tpu.memory_space<vmem>>) semaphore(%arg9 : memref<!tpu.dma_semaphore, #tpu.memory_space<semaphore_mem>>)
    %add3A_90 = arith.constant 1280 : i32
    %add3A_91 = arith.addi %multiple_of3A, %add3A_90 : i32
    %multiple_of3A_92 = tpu.assume_multiple %add3A_91, 8 : i32
    "tpu.region"() ({
      %run_scoped3A = tpu.sem_alloc : memref<!tpu.dma_semaphore, #tpu.memory_space<semaphore_mem>>
      %dma_start3A_341 = arith.constant 0 : i32
      %dma_start3A_342 = tpu.memref_slice %arg4[%multiple_of3A_92, %dma_start3A_341] : memref<204800x128xf32, #tpu.memory_space<hbm>> -> memref<320x128xf32, #tpu.memory_space<hbm>>
      %dma_start3A_343 = arith.constant 0 : i32
      %dma_start3A_344 = tpu.memref_slice %arg4[%multiple_of3A_92, %dma_start3A_343] : memref<204800x128xf32, #tpu.memory_space<hbm>> -> memref<320x128xf32, #tpu.memory_space<hbm>>
      tpu.enqueue_dma source(%arg6 : memref<320x128xf32, #tpu.memory_space<vmem>>) target(%dma_start3A_344 : memref<320x128xf32, #tpu.memory_space<hbm>>) target_semaphore(%run_scoped3A : memref<!tpu.dma_semaphore, #tpu.memory_space<semaphore_mem>>)
      %dma_wait3A_345 = arith.constant 0 : i32
      %dma_wait3A_346 = tpu.memref_slice %arg4[%multiple_of3A_92, %dma_wait3A_345] : memref<204800x128xf32, #tpu.memory_space<hbm>> -> memref<320x128xf32, #tpu.memory_space<hbm>>
      %dma_wait3A_347 = arith.constant 0 : i32
      %dma_wait3A_348 = tpu.memref_slice %arg4[%multiple_of3A_92, %dma_wait3A_347] : memref<204800x128xf32, #tpu.memory_space<hbm>> -> memref<320x128xf32, #tpu.memory_space<hbm>>
      tpu.wait_dma2 semaphore(%run_scoped3A : memref<!tpu.dma_semaphore, #tpu.memory_space<semaphore_mem>>) src(%arg6 : memref<320x128xf32, #tpu.memory_space<vmem>>) dst(%dma_wait3A_348 : memref<320x128xf32, #tpu.memory_space<hbm>>)
      tpu.yield
    }) : () -> ()
    %dma_wait3A_93 = arith.constant 5 : i32
    %dma_wait3A_94 = arith.constant 0 : i32
    %dma_wait3A_95 = tpu.memref_slice %arg5[%dma_wait3A_93, %dma_wait3A_94] : memref<20x320xi32, #tpu.memory_space<vmem>> -> memref<1x320xi32, #tpu.memory_space<vmem>>
    %dma_wait3A_96 = tpu.memref_squeeze %dma_wait3A_95 : memref<1x320xi32, #tpu.memory_space<vmem>> -> memref<320xi32, #tpu.memory_space<vmem>>
    %dma_wait3A_97 = arith.constant 0 : i32
    %dma_wait3A_98 = arith.constant 0 : i32
    %dma_wait3A_99 = tpu.memref_slice %arg2[%dma_wait3A_97, %dma_wait3A_98] : memref<100000x128xf32, #tpu.memory_space<hbm>> -> memref<100000x128xf32, #tpu.memory_space<hbm>>
    tpu.wait_indirect_dma semaphore(%arg9 : memref<!tpu.dma_semaphore, #tpu.memory_space<semaphore_mem>>) src(%dma_wait3A_99 : memref<100000x128xf32, #tpu.memory_space<hbm>>) dst(%arg7 : memref<320x128xf32, #tpu.memory_space<vmem>>)
    %dma_start3A_100 = arith.constant 6 : i32
    %dma_start3A_101 = arith.constant 0 : i32
    %dma_start3A_102 = tpu.memref_slice %arg5[%dma_start3A_100, %dma_start3A_101] : memref<20x320xi32, #tpu.memory_space<vmem>> -> memref<1x320xi32, #tpu.memory_space<vmem>>
    %dma_start3A_103 = tpu.memref_squeeze %dma_start3A_102 : memref<1x320xi32, #tpu.memory_space<vmem>> -> memref<320xi32, #tpu.memory_space<vmem>>
    %dma_start3A_104 = arith.constant 0 : i32
    %dma_start3A_105 = arith.constant 0 : i32
    %dma_start3A_106 = tpu.memref_slice %arg2[%dma_start3A_104, %dma_start3A_105] : memref<100000x128xf32, #tpu.memory_space<hbm>> -> memref<100000x128xf32, #tpu.memory_space<hbm>>
    tpu.enqueue_indirect_dma source(%dma_start3A_106 : memref<100000x128xf32, #tpu.memory_space<hbm>>) target(%arg6 : memref<320x128xf32, #tpu.memory_space<vmem>>) offsets(%dma_start3A_103 : memref<320xi32, #tpu.memory_space<vmem>>) semaphore(%arg8 : memref<!tpu.dma_semaphore, #tpu.memory_space<semaphore_mem>>)
    %add3A_107 = arith.constant 1600 : i32
    %add3A_108 = arith.addi %multiple_of3A, %add3A_107 : i32
    %multiple_of3A_109 = tpu.assume_multiple %add3A_108, 8 : i32
    "tpu.region"() ({
      %run_scoped3A = tpu.sem_alloc : memref<!tpu.dma_semaphore, #tpu.memory_space<semaphore_mem>>
      %dma_start3A_341 = arith.constant 0 : i32
      %dma_start3A_342 = tpu.memref_slice %arg4[%multiple_of3A_109, %dma_start3A_341] : memref<204800x128xf32, #tpu.memory_space<hbm>> -> memref<320x128xf32, #tpu.memory_space<hbm>>
      %dma_start3A_343 = arith.constant 0 : i32
      %dma_start3A_344 = tpu.memref_slice %arg4[%multiple_of3A_109, %dma_start3A_343] : memref<204800x128xf32, #tpu.memory_space<hbm>> -> memref<320x128xf32, #tpu.memory_space<hbm>>
      tpu.enqueue_dma source(%arg7 : memref<320x128xf32, #tpu.memory_space<vmem>>) target(%dma_start3A_344 : memref<320x128xf32, #tpu.memory_space<hbm>>) target_semaphore(%run_scoped3A : memref<!tpu.dma_semaphore, #tpu.memory_space<semaphore_mem>>)
      %dma_wait3A_345 = arith.constant 0 : i32
      %dma_wait3A_346 = tpu.memref_slice %arg4[%multiple_of3A_109, %dma_wait3A_345] : memref<204800x128xf32, #tpu.memory_space<hbm>> -> memref<320x128xf32, #tpu.memory_space<hbm>>
      %dma_wait3A_347 = arith.constant 0 : i32
      %dma_wait3A_348 = tpu.memref_slice %arg4[%multiple_of3A_109, %dma_wait3A_347] : memref<204800x128xf32, #tpu.memory_space<hbm>> -> memref<320x128xf32, #tpu.memory_space<hbm>>
      tpu.wait_dma2 semaphore(%run_scoped3A : memref<!tpu.dma_semaphore, #tpu.memory_space<semaphore_mem>>) src(%arg7 : memref<320x128xf32, #tpu.memory_space<vmem>>) dst(%dma_wait3A_348 : memref<320x128xf32, #tpu.memory_space<hbm>>)
      tpu.yield
    }) : () -> ()
    %dma_wait3A_110 = arith.constant 6 : i32
    %dma_wait3A_111 = arith.constant 0 : i32
    %dma_wait3A_112 = tpu.memref_slice %arg5[%dma_wait3A_110, %dma_wait3A_111] : memref<20x320xi32, #tpu.memory_space<vmem>> -> memref<1x320xi32, #tpu.memory_space<vmem>>
    %dma_wait3A_113 = tpu.memref_squeeze %dma_wait3A_112 : memref<1x320xi32, #tpu.memory_space<vmem>> -> memref<320xi32, #tpu.memory_space<vmem>>
    %dma_wait3A_114 = arith.constant 0 : i32
    %dma_wait3A_115 = arith.constant 0 : i32
    %dma_wait3A_116 = tpu.memref_slice %arg2[%dma_wait3A_114, %dma_wait3A_115] : memref<100000x128xf32, #tpu.memory_space<hbm>> -> memref<100000x128xf32, #tpu.memory_space<hbm>>
    tpu.wait_indirect_dma semaphore(%arg8 : memref<!tpu.dma_semaphore, #tpu.memory_space<semaphore_mem>>) src(%dma_wait3A_116 : memref<100000x128xf32, #tpu.memory_space<hbm>>) dst(%arg6 : memref<320x128xf32, #tpu.memory_space<vmem>>)
    %dma_start3A_117 = arith.constant 7 : i32
    %dma_start3A_118 = arith.constant 0 : i32
    %dma_start3A_119 = tpu.memref_slice %arg5[%dma_start3A_117, %dma_start3A_118] : memref<20x320xi32, #tpu.memory_space<vmem>> -> memref<1x320xi32, #tpu.memory_space<vmem>>
    %dma_start3A_120 = tpu.memref_squeeze %dma_start3A_119 : memref<1x320xi32, #tpu.memory_space<vmem>> -> memref<320xi32, #tpu.memory_space<vmem>>
    %dma_start3A_121 = arith.constant 0 : i32
    %dma_start3A_122 = arith.constant 0 : i32
    %dma_start3A_123 = tpu.memref_slice %arg2[%dma_start3A_121, %dma_start3A_122] : memref<100000x128xf32, #tpu.memory_space<hbm>> -> memref<100000x128xf32, #tpu.memory_space<hbm>>
    tpu.enqueue_indirect_dma source(%dma_start3A_123 : memref<100000x128xf32, #tpu.memory_space<hbm>>) target(%arg7 : memref<320x128xf32, #tpu.memory_space<vmem>>) offsets(%dma_start3A_120 : memref<320xi32, #tpu.memory_space<vmem>>) semaphore(%arg9 : memref<!tpu.dma_semaphore, #tpu.memory_space<semaphore_mem>>)
    %add3A_124 = arith.constant 1920 : i32
    %add3A_125 = arith.addi %multiple_of3A, %add3A_124 : i32
    %multiple_of3A_126 = tpu.assume_multiple %add3A_125, 8 : i32
    "tpu.region"() ({
      %run_scoped3A = tpu.sem_alloc : memref<!tpu.dma_semaphore, #tpu.memory_space<semaphore_mem>>
      %dma_start3A_341 = arith.constant 0 : i32
      %dma_start3A_342 = tpu.memref_slice %arg4[%multiple_of3A_126, %dma_start3A_341] : memref<204800x128xf32, #tpu.memory_space<hbm>> -> memref<320x128xf32, #tpu.memory_space<hbm>>
      %dma_start3A_343 = arith.constant 0 : i32
      %dma_start3A_344 = tpu.memref_slice %arg4[%multiple_of3A_126, %dma_start3A_343] : memref<204800x128xf32, #tpu.memory_space<hbm>> -> memref<320x128xf32, #tpu.memory_space<hbm>>
      tpu.enqueue_dma source(%arg6 : memref<320x128xf32, #tpu.memory_space<vmem>>) target(%dma_start3A_344 : memref<320x128xf32, #tpu.memory_space<hbm>>) target_semaphore(%run_scoped3A : memref<!tpu.dma_semaphore, #tpu.memory_space<semaphore_mem>>)
      %dma_wait3A_345 = arith.constant 0 : i32
      %dma_wait3A_346 = tpu.memref_slice %arg4[%multiple_of3A_126, %dma_wait3A_345] : memref<204800x128xf32, #tpu.memory_space<hbm>> -> memref<320x128xf32, #tpu.memory_space<hbm>>
      %dma_wait3A_347 = arith.constant 0 : i32
      %dma_wait3A_348 = tpu.memref_slice %arg4[%multiple_of3A_126, %dma_wait3A_347] : memref<204800x128xf32, #tpu.memory_space<hbm>> -> memref<320x128xf32, #tpu.memory_space<hbm>>
      tpu.wait_dma2 semaphore(%run_scoped3A : memref<!tpu.dma_semaphore, #tpu.memory_space<semaphore_mem>>) src(%arg6 : memref<320x128xf32, #tpu.memory_space<vmem>>) dst(%dma_wait3A_348 : memref<320x128xf32, #tpu.memory_space<hbm>>)
      tpu.yield
    }) : () -> ()
    %dma_wait3A_127 = arith.constant 7 : i32
    %dma_wait3A_128 = arith.constant 0 : i32
    %dma_wait3A_129 = tpu.memref_slice %arg5[%dma_wait3A_127, %dma_wait3A_128] : memref<20x320xi32, #tpu.memory_space<vmem>> -> memref<1x320xi32, #tpu.memory_space<vmem>>
    %dma_wait3A_130 = tpu.memref_squeeze %dma_wait3A_129 : memref<1x320xi32, #tpu.memory_space<vmem>> -> memref<320xi32, #tpu.memory_space<vmem>>
    %dma_wait3A_131 = arith.constant 0 : i32
    %dma_wait3A_132 = arith.constant 0 : i32
    %dma_wait3A_133 = tpu.memref_slice %arg2[%dma_wait3A_131, %dma_wait3A_132] : memref<100000x128xf32, #tpu.memory_space<hbm>> -> memref<100000x128xf32, #tpu.memory_space<hbm>>
    tpu.wait_indirect_dma semaphore(%arg9 : memref<!tpu.dma_semaphore, #tpu.memory_space<semaphore_mem>>) src(%dma_wait3A_133 : memref<100000x128xf32, #tpu.memory_space<hbm>>) dst(%arg7 : memref<320x128xf32, #tpu.memory_space<vmem>>)
    %dma_start3A_134 = arith.constant 8 : i32
    %dma_start3A_135 = arith.constant 0 : i32
    %dma_start3A_136 = tpu.memref_slice %arg5[%dma_start3A_134, %dma_start3A_135] : memref<20x320xi32, #tpu.memory_space<vmem>> -> memref<1x320xi32, #tpu.memory_space<vmem>>
    %dma_start3A_137 = tpu.memref_squeeze %dma_start3A_136 : memref<1x320xi32, #tpu.memory_space<vmem>> -> memref<320xi32, #tpu.memory_space<vmem>>
    %dma_start3A_138 = arith.constant 0 : i32
    %dma_start3A_139 = arith.constant 0 : i32
    %dma_start3A_140 = tpu.memref_slice %arg2[%dma_start3A_138, %dma_start3A_139] : memref<100000x128xf32, #tpu.memory_space<hbm>> -> memref<100000x128xf32, #tpu.memory_space<hbm>>
    tpu.enqueue_indirect_dma source(%dma_start3A_140 : memref<100000x128xf32, #tpu.memory_space<hbm>>) target(%arg6 : memref<320x128xf32, #tpu.memory_space<vmem>>) offsets(%dma_start3A_137 : memref<320xi32, #tpu.memory_space<vmem>>) semaphore(%arg8 : memref<!tpu.dma_semaphore, #tpu.memory_space<semaphore_mem>>)
    %add3A_141 = arith.constant 2240 : i32
    %add3A_142 = arith.addi %multiple_of3A, %add3A_141 : i32
    %multiple_of3A_143 = tpu.assume_multiple %add3A_142, 8 : i32
    "tpu.region"() ({
      %run_scoped3A = tpu.sem_alloc : memref<!tpu.dma_semaphore, #tpu.memory_space<semaphore_mem>>
      %dma_start3A_341 = arith.constant 0 : i32
      %dma_start3A_342 = tpu.memref_slice %arg4[%multiple_of3A_143, %dma_start3A_341] : memref<204800x128xf32, #tpu.memory_space<hbm>> -> memref<320x128xf32, #tpu.memory_space<hbm>>
      %dma_start3A_343 = arith.constant 0 : i32
      %dma_start3A_344 = tpu.memref_slice %arg4[%multiple_of3A_143, %dma_start3A_343] : memref<204800x128xf32, #tpu.memory_space<hbm>> -> memref<320x128xf32, #tpu.memory_space<hbm>>
      tpu.enqueue_dma source(%arg7 : memref<320x128xf32, #tpu.memory_space<vmem>>) target(%dma_start3A_344 : memref<320x128xf32, #tpu.memory_space<hbm>>) target_semaphore(%run_scoped3A : memref<!tpu.dma_semaphore, #tpu.memory_space<semaphore_mem>>)
      %dma_wait3A_345 = arith.constant 0 : i32
      %dma_wait3A_346 = tpu.memref_slice %arg4[%multiple_of3A_143, %dma_wait3A_345] : memref<204800x128xf32, #tpu.memory_space<hbm>> -> memref<320x128xf32, #tpu.memory_space<hbm>>
      %dma_wait3A_347 = arith.constant 0 : i32
      %dma_wait3A_348 = tpu.memref_slice %arg4[%multiple_of3A_143, %dma_wait3A_347] : memref<204800x128xf32, #tpu.memory_space<hbm>> -> memref<320x128xf32, #tpu.memory_space<hbm>>
      tpu.wait_dma2 semaphore(%run_scoped3A : memref<!tpu.dma_semaphore, #tpu.memory_space<semaphore_mem>>) src(%arg7 : memref<320x128xf32, #tpu.memory_space<vmem>>) dst(%dma_wait3A_348 : memref<320x128xf32, #tpu.memory_space<hbm>>)
      tpu.yield
    }) : () -> ()
    %dma_wait3A_144 = arith.constant 8 : i32
    %dma_wait3A_145 = arith.constant 0 : i32
    %dma_wait3A_146 = tpu.memref_slice %arg5[%dma_wait3A_144, %dma_wait3A_145] : memref<20x320xi32, #tpu.memory_space<vmem>> -> memref<1x320xi32, #tpu.memory_space<vmem>>
    %dma_wait3A_147 = tpu.memref_squeeze %dma_wait3A_146 : memref<1x320xi32, #tpu.memory_space<vmem>> -> memref<320xi32, #tpu.memory_space<vmem>>
    %dma_wait3A_148 = arith.constant 0 : i32
    %dma_wait3A_149 = arith.constant 0 : i32
    %dma_wait3A_150 = tpu.memref_slice %arg2[%dma_wait3A_148, %dma_wait3A_149] : memref<100000x128xf32, #tpu.memory_space<hbm>> -> memref<100000x128xf32, #tpu.memory_space<hbm>>
    tpu.wait_indirect_dma semaphore(%arg8 : memref<!tpu.dma_semaphore, #tpu.memory_space<semaphore_mem>>) src(%dma_wait3A_150 : memref<100000x128xf32, #tpu.memory_space<hbm>>) dst(%arg6 : memref<320x128xf32, #tpu.memory_space<vmem>>)
    %dma_start3A_151 = arith.constant 9 : i32
    %dma_start3A_152 = arith.constant 0 : i32
    %dma_start3A_153 = tpu.memref_slice %arg5[%dma_start3A_151, %dma_start3A_152] : memref<20x320xi32, #tpu.memory_space<vmem>> -> memref<1x320xi32, #tpu.memory_space<vmem>>
    %dma_start3A_154 = tpu.memref_squeeze %dma_start3A_153 : memref<1x320xi32, #tpu.memory_space<vmem>> -> memref<320xi32, #tpu.memory_space<vmem>>
    %dma_start3A_155 = arith.constant 0 : i32
    %dma_start3A_156 = arith.constant 0 : i32
    %dma_start3A_157 = tpu.memref_slice %arg2[%dma_start3A_155, %dma_start3A_156] : memref<100000x128xf32, #tpu.memory_space<hbm>> -> memref<100000x128xf32, #tpu.memory_space<hbm>>
    tpu.enqueue_indirect_dma source(%dma_start3A_157 : memref<100000x128xf32, #tpu.memory_space<hbm>>) target(%arg7 : memref<320x128xf32, #tpu.memory_space<vmem>>) offsets(%dma_start3A_154 : memref<320xi32, #tpu.memory_space<vmem>>) semaphore(%arg9 : memref<!tpu.dma_semaphore, #tpu.memory_space<semaphore_mem>>)
    %add3A_158 = arith.constant 2560 : i32
    %add3A_159 = arith.addi %multiple_of3A, %add3A_158 : i32
    %multiple_of3A_160 = tpu.assume_multiple %add3A_159, 8 : i32
    "tpu.region"() ({
      %run_scoped3A = tpu.sem_alloc : memref<!tpu.dma_semaphore, #tpu.memory_space<semaphore_mem>>
      %dma_start3A_341 = arith.constant 0 : i32
      %dma_start3A_342 = tpu.memref_slice %arg4[%multiple_of3A_160, %dma_start3A_341] : memref<204800x128xf32, #tpu.memory_space<hbm>> -> memref<320x128xf32, #tpu.memory_space<hbm>>
      %dma_start3A_343 = arith.constant 0 : i32
      %dma_start3A_344 = tpu.memref_slice %arg4[%multiple_of3A_160, %dma_start3A_343] : memref<204800x128xf32, #tpu.memory_space<hbm>> -> memref<320x128xf32, #tpu.memory_space<hbm>>
      tpu.enqueue_dma source(%arg6 : memref<320x128xf32, #tpu.memory_space<vmem>>) target(%dma_start3A_344 : memref<320x128xf32, #tpu.memory_space<hbm>>) target_semaphore(%run_scoped3A : memref<!tpu.dma_semaphore, #tpu.memory_space<semaphore_mem>>)
      %dma_wait3A_345 = arith.constant 0 : i32
      %dma_wait3A_346 = tpu.memref_slice %arg4[%multiple_of3A_160, %dma_wait3A_345] : memref<204800x128xf32, #tpu.memory_space<hbm>> -> memref<320x128xf32, #tpu.memory_space<hbm>>
      %dma_wait3A_347 = arith.constant 0 : i32
      %dma_wait3A_348 = tpu.memref_slice %arg4[%multiple_of3A_160, %dma_wait3A_347] : memref<204800x128xf32, #tpu.memory_space<hbm>> -> memref<320x128xf32, #tpu.memory_space<hbm>>
      tpu.wait_dma2 semaphore(%run_scoped3A : memref<!tpu.dma_semaphore, #tpu.memory_space<semaphore_mem>>) src(%arg6 : memref<320x128xf32, #tpu.memory_space<vmem>>) dst(%dma_wait3A_348 : memref<320x128xf32, #tpu.memory_space<hbm>>)
      tpu.yield
    }) : () -> ()
    %dma_wait3A_161 = arith.constant 9 : i32
    %dma_wait3A_162 = arith.constant 0 : i32
    %dma_wait3A_163 = tpu.memref_slice %arg5[%dma_wait3A_161, %dma_wait3A_162] : memref<20x320xi32, #tpu.memory_space<vmem>> -> memref<1x320xi32, #tpu.memory_space<vmem>>
    %dma_wait3A_164 = tpu.memref_squeeze %dma_wait3A_163 : memref<1x320xi32, #tpu.memory_space<vmem>> -> memref<320xi32, #tpu.memory_space<vmem>>
    %dma_wait3A_165 = arith.constant 0 : i32
    %dma_wait3A_166 = arith.constant 0 : i32
    %dma_wait3A_167 = tpu.memref_slice %arg2[%dma_wait3A_165, %dma_wait3A_166] : memref<100000x128xf32, #tpu.memory_space<hbm>> -> memref<100000x128xf32, #tpu.memory_space<hbm>>
    tpu.wait_indirect_dma semaphore(%arg9 : memref<!tpu.dma_semaphore, #tpu.memory_space<semaphore_mem>>) src(%dma_wait3A_167 : memref<100000x128xf32, #tpu.memory_space<hbm>>) dst(%arg7 : memref<320x128xf32, #tpu.memory_space<vmem>>)
    %dma_start3A_168 = arith.constant 10 : i32
    %dma_start3A_169 = arith.constant 0 : i32
    %dma_start3A_170 = tpu.memref_slice %arg5[%dma_start3A_168, %dma_start3A_169] : memref<20x320xi32, #tpu.memory_space<vmem>> -> memref<1x320xi32, #tpu.memory_space<vmem>>
    %dma_start3A_171 = tpu.memref_squeeze %dma_start3A_170 : memref<1x320xi32, #tpu.memory_space<vmem>> -> memref<320xi32, #tpu.memory_space<vmem>>
    %dma_start3A_172 = arith.constant 0 : i32
    %dma_start3A_173 = arith.constant 0 : i32
    %dma_start3A_174 = tpu.memref_slice %arg2[%dma_start3A_172, %dma_start3A_173] : memref<100000x128xf32, #tpu.memory_space<hbm>> -> memref<100000x128xf32, #tpu.memory_space<hbm>>
    tpu.enqueue_indirect_dma source(%dma_start3A_174 : memref<100000x128xf32, #tpu.memory_space<hbm>>) target(%arg6 : memref<320x128xf32, #tpu.memory_space<vmem>>) offsets(%dma_start3A_171 : memref<320xi32, #tpu.memory_space<vmem>>) semaphore(%arg8 : memref<!tpu.dma_semaphore, #tpu.memory_space<semaphore_mem>>)
    %add3A_175 = arith.constant 2880 : i32
    %add3A_176 = arith.addi %multiple_of3A, %add3A_175 : i32
    %multiple_of3A_177 = tpu.assume_multiple %add3A_176, 8 : i32
    "tpu.region"() ({
      %run_scoped3A = tpu.sem_alloc : memref<!tpu.dma_semaphore, #tpu.memory_space<semaphore_mem>>
      %dma_start3A_341 = arith.constant 0 : i32
      %dma_start3A_342 = tpu.memref_slice %arg4[%multiple_of3A_177, %dma_start3A_341] : memref<204800x128xf32, #tpu.memory_space<hbm>> -> memref<320x128xf32, #tpu.memory_space<hbm>>
      %dma_start3A_343 = arith.constant 0 : i32
      %dma_start3A_344 = tpu.memref_slice %arg4[%multiple_of3A_177, %dma_start3A_343] : memref<204800x128xf32, #tpu.memory_space<hbm>> -> memref<320x128xf32, #tpu.memory_space<hbm>>
      tpu.enqueue_dma source(%arg7 : memref<320x128xf32, #tpu.memory_space<vmem>>) target(%dma_start3A_344 : memref<320x128xf32, #tpu.memory_space<hbm>>) target_semaphore(%run_scoped3A : memref<!tpu.dma_semaphore, #tpu.memory_space<semaphore_mem>>)
      %dma_wait3A_345 = arith.constant 0 : i32
      %dma_wait3A_346 = tpu.memref_slice %arg4[%multiple_of3A_177, %dma_wait3A_345] : memref<204800x128xf32, #tpu.memory_space<hbm>> -> memref<320x128xf32, #tpu.memory_space<hbm>>
      %dma_wait3A_347 = arith.constant 0 : i32
      %dma_wait3A_348 = tpu.memref_slice %arg4[%multiple_of3A_177, %dma_wait3A_347] : memref<204800x128xf32, #tpu.memory_space<hbm>> -> memref<320x128xf32, #tpu.memory_space<hbm>>
      tpu.wait_dma2 semaphore(%run_scoped3A : memref<!tpu.dma_semaphore, #tpu.memory_space<semaphore_mem>>) src(%arg7 : memref<320x128xf32, #tpu.memory_space<vmem>>) dst(%dma_wait3A_348 : memref<320x128xf32, #tpu.memory_space<hbm>>)
      tpu.yield
    }) : () -> ()
    %dma_wait3A_178 = arith.constant 10 : i32
    %dma_wait3A_179 = arith.constant 0 : i32
    %dma_wait3A_180 = tpu.memref_slice %arg5[%dma_wait3A_178, %dma_wait3A_179] : memref<20x320xi32, #tpu.memory_space<vmem>> -> memref<1x320xi32, #tpu.memory_space<vmem>>
    %dma_wait3A_181 = tpu.memref_squeeze %dma_wait3A_180 : memref<1x320xi32, #tpu.memory_space<vmem>> -> memref<320xi32, #tpu.memory_space<vmem>>
    %dma_wait3A_182 = arith.constant 0 : i32
    %dma_wait3A_183 = arith.constant 0 : i32
    %dma_wait3A_184 = tpu.memref_slice %arg2[%dma_wait3A_182, %dma_wait3A_183] : memref<100000x128xf32, #tpu.memory_space<hbm>> -> memref<100000x128xf32, #tpu.memory_space<hbm>>
    tpu.wait_indirect_dma semaphore(%arg8 : memref<!tpu.dma_semaphore, #tpu.memory_space<semaphore_mem>>) src(%dma_wait3A_184 : memref<100000x128xf32, #tpu.memory_space<hbm>>) dst(%arg6 : memref<320x128xf32, #tpu.memory_space<vmem>>)
    %dma_start3A_185 = arith.constant 11 : i32
    %dma_start3A_186 = arith.constant 0 : i32
    %dma_start3A_187 = tpu.memref_slice %arg5[%dma_start3A_185, %dma_start3A_186] : memref<20x320xi32, #tpu.memory_space<vmem>> -> memref<1x320xi32, #tpu.memory_space<vmem>>
    %dma_start3A_188 = tpu.memref_squeeze %dma_start3A_187 : memref<1x320xi32, #tpu.memory_space<vmem>> -> memref<320xi32, #tpu.memory_space<vmem>>
    %dma_start3A_189 = arith.constant 0 : i32
    %dma_start3A_190 = arith.constant 0 : i32
    %dma_start3A_191 = tpu.memref_slice %arg2[%dma_start3A_189, %dma_start3A_190] : memref<100000x128xf32, #tpu.memory_space<hbm>> -> memref<100000x128xf32, #tpu.memory_space<hbm>>
    tpu.enqueue_indirect_dma source(%dma_start3A_191 : memref<100000x128xf32, #tpu.memory_space<hbm>>) target(%arg7 : memref<320x128xf32, #tpu.memory_space<vmem>>) offsets(%dma_start3A_188 : memref<320xi32, #tpu.memory_space<vmem>>) semaphore(%arg9 : memref<!tpu.dma_semaphore, #tpu.memory_space<semaphore_mem>>)
    %add3A_192 = arith.constant 3200 : i32
    %add3A_193 = arith.addi %multiple_of3A, %add3A_192 : i32
    %multiple_of3A_194 = tpu.assume_multiple %add3A_193, 8 : i32
    "tpu.region"() ({
      %run_scoped3A = tpu.sem_alloc : memref<!tpu.dma_semaphore, #tpu.memory_space<semaphore_mem>>
      %dma_start3A_341 = arith.constant 0 : i32
      %dma_start3A_342 = tpu.memref_slice %arg4[%multiple_of3A_194, %dma_start3A_341] : memref<204800x128xf32, #tpu.memory_space<hbm>> -> memref<320x128xf32, #tpu.memory_space<hbm>>
      %dma_start3A_343 = arith.constant 0 : i32
      %dma_start3A_344 = tpu.memref_slice %arg4[%multiple_of3A_194, %dma_start3A_343] : memref<204800x128xf32, #tpu.memory_space<hbm>> -> memref<320x128xf32, #tpu.memory_space<hbm>>
      tpu.enqueue_dma source(%arg6 : memref<320x128xf32, #tpu.memory_space<vmem>>) target(%dma_start3A_344 : memref<320x128xf32, #tpu.memory_space<hbm>>) target_semaphore(%run_scoped3A : memref<!tpu.dma_semaphore, #tpu.memory_space<semaphore_mem>>)
      %dma_wait3A_345 = arith.constant 0 : i32
      %dma_wait3A_346 = tpu.memref_slice %arg4[%multiple_of3A_194, %dma_wait3A_345] : memref<204800x128xf32, #tpu.memory_space<hbm>> -> memref<320x128xf32, #tpu.memory_space<hbm>>
      %dma_wait3A_347 = arith.constant 0 : i32
      %dma_wait3A_348 = tpu.memref_slice %arg4[%multiple_of3A_194, %dma_wait3A_347] : memref<204800x128xf32, #tpu.memory_space<hbm>> -> memref<320x128xf32, #tpu.memory_space<hbm>>
      tpu.wait_dma2 semaphore(%run_scoped3A : memref<!tpu.dma_semaphore, #tpu.memory_space<semaphore_mem>>) src(%arg6 : memref<320x128xf32, #tpu.memory_space<vmem>>) dst(%dma_wait3A_348 : memref<320x128xf32, #tpu.memory_space<hbm>>)
      tpu.yield
    }) : () -> ()
    %dma_wait3A_195 = arith.constant 11 : i32
    %dma_wait3A_196 = arith.constant 0 : i32
    %dma_wait3A_197 = tpu.memref_slice %arg5[%dma_wait3A_195, %dma_wait3A_196] : memref<20x320xi32, #tpu.memory_space<vmem>> -> memref<1x320xi32, #tpu.memory_space<vmem>>
    %dma_wait3A_198 = tpu.memref_squeeze %dma_wait3A_197 : memref<1x320xi32, #tpu.memory_space<vmem>> -> memref<320xi32, #tpu.memory_space<vmem>>
    %dma_wait3A_199 = arith.constant 0 : i32
    %dma_wait3A_200 = arith.constant 0 : i32
    %dma_wait3A_201 = tpu.memref_slice %arg2[%dma_wait3A_199, %dma_wait3A_200] : memref<100000x128xf32, #tpu.memory_space<hbm>> -> memref<100000x128xf32, #tpu.memory_space<hbm>>
    tpu.wait_indirect_dma semaphore(%arg9 : memref<!tpu.dma_semaphore, #tpu.memory_space<semaphore_mem>>) src(%dma_wait3A_201 : memref<100000x128xf32, #tpu.memory_space<hbm>>) dst(%arg7 : memref<320x128xf32, #tpu.memory_space<vmem>>)
    %dma_start3A_202 = arith.constant 12 : i32
    %dma_start3A_203 = arith.constant 0 : i32
    %dma_start3A_204 = tpu.memref_slice %arg5[%dma_start3A_202, %dma_start3A_203] : memref<20x320xi32, #tpu.memory_space<vmem>> -> memref<1x320xi32, #tpu.memory_space<vmem>>
    %dma_start3A_205 = tpu.memref_squeeze %dma_start3A_204 : memref<1x320xi32, #tpu.memory_space<vmem>> -> memref<320xi32, #tpu.memory_space<vmem>>
    %dma_start3A_206 = arith.constant 0 : i32
    %dma_start3A_207 = arith.constant 0 : i32
    %dma_start3A_208 = tpu.memref_slice %arg2[%dma_start3A_206, %dma_start3A_207] : memref<100000x128xf32, #tpu.memory_space<hbm>> -> memref<100000x128xf32, #tpu.memory_space<hbm>>
    tpu.enqueue_indirect_dma source(%dma_start3A_208 : memref<100000x128xf32, #tpu.memory_space<hbm>>) target(%arg6 : memref<320x128xf32, #tpu.memory_space<vmem>>) offsets(%dma_start3A_205 : memref<320xi32, #tpu.memory_space<vmem>>) semaphore(%arg8 : memref<!tpu.dma_semaphore, #tpu.memory_space<semaphore_mem>>)
    %add3A_209 = arith.constant 3520 : i32
    %add3A_210 = arith.addi %multiple_of3A, %add3A_209 : i32
    %multiple_of3A_211 = tpu.assume_multiple %add3A_210, 8 : i32
    "tpu.region"() ({
      %run_scoped3A = tpu.sem_alloc : memref<!tpu.dma_semaphore, #tpu.memory_space<semaphore_mem>>
      %dma_start3A_341 = arith.constant 0 : i32
      %dma_start3A_342 = tpu.memref_slice %arg4[%multiple_of3A_211, %dma_start3A_341] : memref<204800x128xf32, #tpu.memory_space<hbm>> -> memref<320x128xf32, #tpu.memory_space<hbm>>
      %dma_start3A_343 = arith.constant 0 : i32
      %dma_start3A_344 = tpu.memref_slice %arg4[%multiple_of3A_211, %dma_start3A_343] : memref<204800x128xf32, #tpu.memory_space<hbm>> -> memref<320x128xf32, #tpu.memory_space<hbm>>
      tpu.enqueue_dma source(%arg7 : memref<320x128xf32, #tpu.memory_space<vmem>>) target(%dma_start3A_344 : memref<320x128xf32, #tpu.memory_space<hbm>>) target_semaphore(%run_scoped3A : memref<!tpu.dma_semaphore, #tpu.memory_space<semaphore_mem>>)
      %dma_wait3A_345 = arith.constant 0 : i32
      %dma_wait3A_346 = tpu.memref_slice %arg4[%multiple_of3A_211, %dma_wait3A_345] : memref<204800x128xf32, #tpu.memory_space<hbm>> -> memref<320x128xf32, #tpu.memory_space<hbm>>
      %dma_wait3A_347 = arith.constant 0 : i32
      %dma_wait3A_348 = tpu.memref_slice %arg4[%multiple_of3A_211, %dma_wait3A_347] : memref<204800x128xf32, #tpu.memory_space<hbm>> -> memref<320x128xf32, #tpu.memory_space<hbm>>
      tpu.wait_dma2 semaphore(%run_scoped3A : memref<!tpu.dma_semaphore, #tpu.memory_space<semaphore_mem>>) src(%arg7 : memref<320x128xf32, #tpu.memory_space<vmem>>) dst(%dma_wait3A_348 : memref<320x128xf32, #tpu.memory_space<hbm>>)
      tpu.yield
    }) : () -> ()
    %dma_wait3A_212 = arith.constant 12 : i32
    %dma_wait3A_213 = arith.constant 0 : i32
    %dma_wait3A_214 = tpu.memref_slice %arg5[%dma_wait3A_212, %dma_wait3A_213] : memref<20x320xi32, #tpu.memory_space<vmem>> -> memref<1x320xi32, #tpu.memory_space<vmem>>
    %dma_wait3A_215 = tpu.memref_squeeze %dma_wait3A_214 : memref<1x320xi32, #tpu.memory_space<vmem>> -> memref<320xi32, #tpu.memory_space<vmem>>
    %dma_wait3A_216 = arith.constant 0 : i32
    %dma_wait3A_217 = arith.constant 0 : i32
    %dma_wait3A_218 = tpu.memref_slice %arg2[%dma_wait3A_216, %dma_wait3A_217] : memref<100000x128xf32, #tpu.memory_space<hbm>> -> memref<100000x128xf32, #tpu.memory_space<hbm>>
    tpu.wait_indirect_dma semaphore(%arg8 : memref<!tpu.dma_semaphore, #tpu.memory_space<semaphore_mem>>) src(%dma_wait3A_218 : memref<100000x128xf32, #tpu.memory_space<hbm>>) dst(%arg6 : memref<320x128xf32, #tpu.memory_space<vmem>>)
    %dma_start3A_219 = arith.constant 13 : i32
    %dma_start3A_220 = arith.constant 0 : i32
    %dma_start3A_221 = tpu.memref_slice %arg5[%dma_start3A_219, %dma_start3A_220] : memref<20x320xi32, #tpu.memory_space<vmem>> -> memref<1x320xi32, #tpu.memory_space<vmem>>
    %dma_start3A_222 = tpu.memref_squeeze %dma_start3A_221 : memref<1x320xi32, #tpu.memory_space<vmem>> -> memref<320xi32, #tpu.memory_space<vmem>>
    %dma_start3A_223 = arith.constant 0 : i32
    %dma_start3A_224 = arith.constant 0 : i32
    %dma_start3A_225 = tpu.memref_slice %arg2[%dma_start3A_223, %dma_start3A_224] : memref<100000x128xf32, #tpu.memory_space<hbm>> -> memref<100000x128xf32, #tpu.memory_space<hbm>>
    tpu.enqueue_indirect_dma source(%dma_start3A_225 : memref<100000x128xf32, #tpu.memory_space<hbm>>) target(%arg7 : memref<320x128xf32, #tpu.memory_space<vmem>>) offsets(%dma_start3A_222 : memref<320xi32, #tpu.memory_space<vmem>>) semaphore(%arg9 : memref<!tpu.dma_semaphore, #tpu.memory_space<semaphore_mem>>)
    %add3A_226 = arith.constant 3840 : i32
    %add3A_227 = arith.addi %multiple_of3A, %add3A_226 : i32
    %multiple_of3A_228 = tpu.assume_multiple %add3A_227, 8 : i32
    "tpu.region"() ({
      %run_scoped3A = tpu.sem_alloc : memref<!tpu.dma_semaphore, #tpu.memory_space<semaphore_mem>>
      %dma_start3A_341 = arith.constant 0 : i32
      %dma_start3A_342 = tpu.memref_slice %arg4[%multiple_of3A_228, %dma_start3A_341] : memref<204800x128xf32, #tpu.memory_space<hbm>> -> memref<320x128xf32, #tpu.memory_space<hbm>>
      %dma_start3A_343 = arith.constant 0 : i32
      %dma_start3A_344 = tpu.memref_slice %arg4[%multiple_of3A_228, %dma_start3A_343] : memref<204800x128xf32, #tpu.memory_space<hbm>> -> memref<320x128xf32, #tpu.memory_space<hbm>>
      tpu.enqueue_dma source(%arg6 : memref<320x128xf32, #tpu.memory_space<vmem>>) target(%dma_start3A_344 : memref<320x128xf32, #tpu.memory_space<hbm>>) target_semaphore(%run_scoped3A : memref<!tpu.dma_semaphore, #tpu.memory_space<semaphore_mem>>)
      %dma_wait3A_345 = arith.constant 0 : i32
      %dma_wait3A_346 = tpu.memref_slice %arg4[%multiple_of3A_228, %dma_wait3A_345] : memref<204800x128xf32, #tpu.memory_space<hbm>> -> memref<320x128xf32, #tpu.memory_space<hbm>>
      %dma_wait3A_347 = arith.constant 0 : i32
      %dma_wait3A_348 = tpu.memref_slice %arg4[%multiple_of3A_228, %dma_wait3A_347] : memref<204800x128xf32, #tpu.memory_space<hbm>> -> memref<320x128xf32, #tpu.memory_space<hbm>>
      tpu.wait_dma2 semaphore(%run_scoped3A : memref<!tpu.dma_semaphore, #tpu.memory_space<semaphore_mem>>) src(%arg6 : memref<320x128xf32, #tpu.memory_space<vmem>>) dst(%dma_wait3A_348 : memref<320x128xf32, #tpu.memory_space<hbm>>)
      tpu.yield
    }) : () -> ()
    %dma_wait3A_229 = arith.constant 13 : i32
    %dma_wait3A_230 = arith.constant 0 : i32
    %dma_wait3A_231 = tpu.memref_slice %arg5[%dma_wait3A_229, %dma_wait3A_230] : memref<20x320xi32, #tpu.memory_space<vmem>> -> memref<1x320xi32, #tpu.memory_space<vmem>>
    %dma_wait3A_232 = tpu.memref_squeeze %dma_wait3A_231 : memref<1x320xi32, #tpu.memory_space<vmem>> -> memref<320xi32, #tpu.memory_space<vmem>>
    %dma_wait3A_233 = arith.constant 0 : i32
    %dma_wait3A_234 = arith.constant 0 : i32
    %dma_wait3A_235 = tpu.memref_slice %arg2[%dma_wait3A_233, %dma_wait3A_234] : memref<100000x128xf32, #tpu.memory_space<hbm>> -> memref<100000x128xf32, #tpu.memory_space<hbm>>
    tpu.wait_indirect_dma semaphore(%arg9 : memref<!tpu.dma_semaphore, #tpu.memory_space<semaphore_mem>>) src(%dma_wait3A_235 : memref<100000x128xf32, #tpu.memory_space<hbm>>) dst(%arg7 : memref<320x128xf32, #tpu.memory_space<vmem>>)
    %dma_start3A_236 = arith.constant 14 : i32
    %dma_start3A_237 = arith.constant 0 : i32
    %dma_start3A_238 = tpu.memref_slice %arg5[%dma_start3A_236, %dma_start3A_237] : memref<20x320xi32, #tpu.memory_space<vmem>> -> memref<1x320xi32, #tpu.memory_space<vmem>>
    %dma_start3A_239 = tpu.memref_squeeze %dma_start3A_238 : memref<1x320xi32, #tpu.memory_space<vmem>> -> memref<320xi32, #tpu.memory_space<vmem>>
    %dma_start3A_240 = arith.constant 0 : i32
    %dma_start3A_241 = arith.constant 0 : i32
    %dma_start3A_242 = tpu.memref_slice %arg2[%dma_start3A_240, %dma_start3A_241] : memref<100000x128xf32, #tpu.memory_space<hbm>> -> memref<100000x128xf32, #tpu.memory_space<hbm>>
    tpu.enqueue_indirect_dma source(%dma_start3A_242 : memref<100000x128xf32, #tpu.memory_space<hbm>>) target(%arg6 : memref<320x128xf32, #tpu.memory_space<vmem>>) offsets(%dma_start3A_239 : memref<320xi32, #tpu.memory_space<vmem>>) semaphore(%arg8 : memref<!tpu.dma_semaphore, #tpu.memory_space<semaphore_mem>>)
    %add3A_243 = arith.constant 4160 : i32
    %add3A_244 = arith.addi %multiple_of3A, %add3A_243 : i32
    %multiple_of3A_245 = tpu.assume_multiple %add3A_244, 8 : i32
    "tpu.region"() ({
      %run_scoped3A = tpu.sem_alloc : memref<!tpu.dma_semaphore, #tpu.memory_space<semaphore_mem>>
      %dma_start3A_341 = arith.constant 0 : i32
      %dma_start3A_342 = tpu.memref_slice %arg4[%multiple_of3A_245, %dma_start3A_341] : memref<204800x128xf32, #tpu.memory_space<hbm>> -> memref<320x128xf32, #tpu.memory_space<hbm>>
      %dma_start3A_343 = arith.constant 0 : i32
      %dma_start3A_344 = tpu.memref_slice %arg4[%multiple_of3A_245, %dma_start3A_343] : memref<204800x128xf32, #tpu.memory_space<hbm>> -> memref<320x128xf32, #tpu.memory_space<hbm>>
      tpu.enqueue_dma source(%arg7 : memref<320x128xf32, #tpu.memory_space<vmem>>) target(%dma_start3A_344 : memref<320x128xf32, #tpu.memory_space<hbm>>) target_semaphore(%run_scoped3A : memref<!tpu.dma_semaphore, #tpu.memory_space<semaphore_mem>>)
      %dma_wait3A_345 = arith.constant 0 : i32
      %dma_wait3A_346 = tpu.memref_slice %arg4[%multiple_of3A_245, %dma_wait3A_345] : memref<204800x128xf32, #tpu.memory_space<hbm>> -> memref<320x128xf32, #tpu.memory_space<hbm>>
      %dma_wait3A_347 = arith.constant 0 : i32
      %dma_wait3A_348 = tpu.memref_slice %arg4[%multiple_of3A_245, %dma_wait3A_347] : memref<204800x128xf32, #tpu.memory_space<hbm>> -> memref<320x128xf32, #tpu.memory_space<hbm>>
      tpu.wait_dma2 semaphore(%run_scoped3A : memref<!tpu.dma_semaphore, #tpu.memory_space<semaphore_mem>>) src(%arg7 : memref<320x128xf32, #tpu.memory_space<vmem>>) dst(%dma_wait3A_348 : memref<320x128xf32, #tpu.memory_space<hbm>>)
      tpu.yield
    }) : () -> ()
    %dma_wait3A_246 = arith.constant 14 : i32
    %dma_wait3A_247 = arith.constant 0 : i32
    %dma_wait3A_248 = tpu.memref_slice %arg5[%dma_wait3A_246, %dma_wait3A_247] : memref<20x320xi32, #tpu.memory_space<vmem>> -> memref<1x320xi32, #tpu.memory_space<vmem>>
    %dma_wait3A_249 = tpu.memref_squeeze %dma_wait3A_248 : memref<1x320xi32, #tpu.memory_space<vmem>> -> memref<320xi32, #tpu.memory_space<vmem>>
    %dma_wait3A_250 = arith.constant 0 : i32
    %dma_wait3A_251 = arith.constant 0 : i32
    %dma_wait3A_252 = tpu.memref_slice %arg2[%dma_wait3A_250, %dma_wait3A_251] : memref<100000x128xf32, #tpu.memory_space<hbm>> -> memref<100000x128xf32, #tpu.memory_space<hbm>>
    tpu.wait_indirect_dma semaphore(%arg8 : memref<!tpu.dma_semaphore, #tpu.memory_space<semaphore_mem>>) src(%dma_wait3A_252 : memref<100000x128xf32, #tpu.memory_space<hbm>>) dst(%arg6 : memref<320x128xf32, #tpu.memory_space<vmem>>)
    %dma_start3A_253 = arith.constant 15 : i32
    %dma_start3A_254 = arith.constant 0 : i32
    %dma_start3A_255 = tpu.memref_slice %arg5[%dma_start3A_253, %dma_start3A_254] : memref<20x320xi32, #tpu.memory_space<vmem>> -> memref<1x320xi32, #tpu.memory_space<vmem>>
    %dma_start3A_256 = tpu.memref_squeeze %dma_start3A_255 : memref<1x320xi32, #tpu.memory_space<vmem>> -> memref<320xi32, #tpu.memory_space<vmem>>
    %dma_start3A_257 = arith.constant 0 : i32
    %dma_start3A_258 = arith.constant 0 : i32
    %dma_start3A_259 = tpu.memref_slice %arg2[%dma_start3A_257, %dma_start3A_258] : memref<100000x128xf32, #tpu.memory_space<hbm>> -> memref<100000x128xf32, #tpu.memory_space<hbm>>
    tpu.enqueue_indirect_dma source(%dma_start3A_259 : memref<100000x128xf32, #tpu.memory_space<hbm>>) target(%arg7 : memref<320x128xf32, #tpu.memory_space<vmem>>) offsets(%dma_start3A_256 : memref<320xi32, #tpu.memory_space<vmem>>) semaphore(%arg9 : memref<!tpu.dma_semaphore, #tpu.memory_space<semaphore_mem>>)
    %add3A_260 = arith.constant 4480 : i32
    %add3A_261 = arith.addi %multiple_of3A, %add3A_260 : i32
    %multiple_of3A_262 = tpu.assume_multiple %add3A_261, 8 : i32
    "tpu.region"() ({
      %run_scoped3A = tpu.sem_alloc : memref<!tpu.dma_semaphore, #tpu.memory_space<semaphore_mem>>
      %dma_start3A_341 = arith.constant 0 : i32
      %dma_start3A_342 = tpu.memref_slice %arg4[%multiple_of3A_262, %dma_start3A_341] : memref<204800x128xf32, #tpu.memory_space<hbm>> -> memref<320x128xf32, #tpu.memory_space<hbm>>
      %dma_start3A_343 = arith.constant 0 : i32
      %dma_start3A_344 = tpu.memref_slice %arg4[%multiple_of3A_262, %dma_start3A_343] : memref<204800x128xf32, #tpu.memory_space<hbm>> -> memref<320x128xf32, #tpu.memory_space<hbm>>
      tpu.enqueue_dma source(%arg6 : memref<320x128xf32, #tpu.memory_space<vmem>>) target(%dma_start3A_344 : memref<320x128xf32, #tpu.memory_space<hbm>>) target_semaphore(%run_scoped3A : memref<!tpu.dma_semaphore, #tpu.memory_space<semaphore_mem>>)
      %dma_wait3A_345 = arith.constant 0 : i32
      %dma_wait3A_346 = tpu.memref_slice %arg4[%multiple_of3A_262, %dma_wait3A_345] : memref<204800x128xf32, #tpu.memory_space<hbm>> -> memref<320x128xf32, #tpu.memory_space<hbm>>
      %dma_wait3A_347 = arith.constant 0 : i32
      %dma_wait3A_348 = tpu.memref_slice %arg4[%multiple_of3A_262, %dma_wait3A_347] : memref<204800x128xf32, #tpu.memory_space<hbm>> -> memref<320x128xf32, #tpu.memory_space<hbm>>
      tpu.wait_dma2 semaphore(%run_scoped3A : memref<!tpu.dma_semaphore, #tpu.memory_space<semaphore_mem>>) src(%arg6 : memref<320x128xf32, #tpu.memory_space<vmem>>) dst(%dma_wait3A_348 : memref<320x128xf32, #tpu.memory_space<hbm>>)
      tpu.yield
    }) : () -> ()
    %dma_wait3A_263 = arith.constant 15 : i32
    %dma_wait3A_264 = arith.constant 0 : i32
    %dma_wait3A_265 = tpu.memref_slice %arg5[%dma_wait3A_263, %dma_wait3A_264] : memref<20x320xi32, #tpu.memory_space<vmem>> -> memref<1x320xi32, #tpu.memory_space<vmem>>
    %dma_wait3A_266 = tpu.memref_squeeze %dma_wait3A_265 : memref<1x320xi32, #tpu.memory_space<vmem>> -> memref<320xi32, #tpu.memory_space<vmem>>
    %dma_wait3A_267 = arith.constant 0 : i32
    %dma_wait3A_268 = arith.constant 0 : i32
    %dma_wait3A_269 = tpu.memref_slice %arg2[%dma_wait3A_267, %dma_wait3A_268] : memref<100000x128xf32, #tpu.memory_space<hbm>> -> memref<100000x128xf32, #tpu.memory_space<hbm>>
    tpu.wait_indirect_dma semaphore(%arg9 : memref<!tpu.dma_semaphore, #tpu.memory_space<semaphore_mem>>) src(%dma_wait3A_269 : memref<100000x128xf32, #tpu.memory_space<hbm>>) dst(%arg7 : memref<320x128xf32, #tpu.memory_space<vmem>>)
    %dma_start3A_270 = arith.constant 16 : i32
    %dma_start3A_271 = arith.constant 0 : i32
    %dma_start3A_272 = tpu.memref_slice %arg5[%dma_start3A_270, %dma_start3A_271] : memref<20x320xi32, #tpu.memory_space<vmem>> -> memref<1x320xi32, #tpu.memory_space<vmem>>
    %dma_start3A_273 = tpu.memref_squeeze %dma_start3A_272 : memref<1x320xi32, #tpu.memory_space<vmem>> -> memref<320xi32, #tpu.memory_space<vmem>>
    %dma_start3A_274 = arith.constant 0 : i32
    %dma_start3A_275 = arith.constant 0 : i32
    %dma_start3A_276 = tpu.memref_slice %arg2[%dma_start3A_274, %dma_start3A_275] : memref<100000x128xf32, #tpu.memory_space<hbm>> -> memref<100000x128xf32, #tpu.memory_space<hbm>>
    tpu.enqueue_indirect_dma source(%dma_start3A_276 : memref<100000x128xf32, #tpu.memory_space<hbm>>) target(%arg6 : memref<320x128xf32, #tpu.memory_space<vmem>>) offsets(%dma_start3A_273 : memref<320xi32, #tpu.memory_space<vmem>>) semaphore(%arg8 : memref<!tpu.dma_semaphore, #tpu.memory_space<semaphore_mem>>)
    %add3A_277 = arith.constant 4800 : i32
    %add3A_278 = arith.addi %multiple_of3A, %add3A_277 : i32
    %multiple_of3A_279 = tpu.assume_multiple %add3A_278, 8 : i32
    "tpu.region"() ({
      %run_scoped3A = tpu.sem_alloc : memref<!tpu.dma_semaphore, #tpu.memory_space<semaphore_mem>>
      %dma_start3A_341 = arith.constant 0 : i32
      %dma_start3A_342 = tpu.memref_slice %arg4[%multiple_of3A_279, %dma_start3A_341] : memref<204800x128xf32, #tpu.memory_space<hbm>> -> memref<320x128xf32, #tpu.memory_space<hbm>>
      %dma_start3A_343 = arith.constant 0 : i32
      %dma_start3A_344 = tpu.memref_slice %arg4[%multiple_of3A_279, %dma_start3A_343] : memref<204800x128xf32, #tpu.memory_space<hbm>> -> memref<320x128xf32, #tpu.memory_space<hbm>>
      tpu.enqueue_dma source(%arg7 : memref<320x128xf32, #tpu.memory_space<vmem>>) target(%dma_start3A_344 : memref<320x128xf32, #tpu.memory_space<hbm>>) target_semaphore(%run_scoped3A : memref<!tpu.dma_semaphore, #tpu.memory_space<semaphore_mem>>)
      %dma_wait3A_345 = arith.constant 0 : i32
      %dma_wait3A_346 = tpu.memref_slice %arg4[%multiple_of3A_279, %dma_wait3A_345] : memref<204800x128xf32, #tpu.memory_space<hbm>> -> memref<320x128xf32, #tpu.memory_space<hbm>>
      %dma_wait3A_347 = arith.constant 0 : i32
      %dma_wait3A_348 = tpu.memref_slice %arg4[%multiple_of3A_279, %dma_wait3A_347] : memref<204800x128xf32, #tpu.memory_space<hbm>> -> memref<320x128xf32, #tpu.memory_space<hbm>>
      tpu.wait_dma2 semaphore(%run_scoped3A : memref<!tpu.dma_semaphore, #tpu.memory_space<semaphore_mem>>) src(%arg7 : memref<320x128xf32, #tpu.memory_space<vmem>>) dst(%dma_wait3A_348 : memref<320x128xf32, #tpu.memory_space<hbm>>)
      tpu.yield
    }) : () -> ()
    %dma_wait3A_280 = arith.constant 16 : i32
    %dma_wait3A_281 = arith.constant 0 : i32
    %dma_wait3A_282 = tpu.memref_slice %arg5[%dma_wait3A_280, %dma_wait3A_281] : memref<20x320xi32, #tpu.memory_space<vmem>> -> memref<1x320xi32, #tpu.memory_space<vmem>>
    %dma_wait3A_283 = tpu.memref_squeeze %dma_wait3A_282 : memref<1x320xi32, #tpu.memory_space<vmem>> -> memref<320xi32, #tpu.memory_space<vmem>>
    %dma_wait3A_284 = arith.constant 0 : i32
    %dma_wait3A_285 = arith.constant 0 : i32
    %dma_wait3A_286 = tpu.memref_slice %arg2[%dma_wait3A_284, %dma_wait3A_285] : memref<100000x128xf32, #tpu.memory_space<hbm>> -> memref<100000x128xf32, #tpu.memory_space<hbm>>
    tpu.wait_indirect_dma semaphore(%arg8 : memref<!tpu.dma_semaphore, #tpu.memory_space<semaphore_mem>>) src(%dma_wait3A_286 : memref<100000x128xf32, #tpu.memory_space<hbm>>) dst(%arg6 : memref<320x128xf32, #tpu.memory_space<vmem>>)
    %dma_start3A_287 = arith.constant 17 : i32
    %dma_start3A_288 = arith.constant 0 : i32
    %dma_start3A_289 = tpu.memref_slice %arg5[%dma_start3A_287, %dma_start3A_288] : memref<20x320xi32, #tpu.memory_space<vmem>> -> memref<1x320xi32, #tpu.memory_space<vmem>>
    %dma_start3A_290 = tpu.memref_squeeze %dma_start3A_289 : memref<1x320xi32, #tpu.memory_space<vmem>> -> memref<320xi32, #tpu.memory_space<vmem>>
    %dma_start3A_291 = arith.constant 0 : i32
    %dma_start3A_292 = arith.constant 0 : i32
    %dma_start3A_293 = tpu.memref_slice %arg2[%dma_start3A_291, %dma_start3A_292] : memref<100000x128xf32, #tpu.memory_space<hbm>> -> memref<100000x128xf32, #tpu.memory_space<hbm>>
    tpu.enqueue_indirect_dma source(%dma_start3A_293 : memref<100000x128xf32, #tpu.memory_space<hbm>>) target(%arg7 : memref<320x128xf32, #tpu.memory_space<vmem>>) offsets(%dma_start3A_290 : memref<320xi32, #tpu.memory_space<vmem>>) semaphore(%arg9 : memref<!tpu.dma_semaphore, #tpu.memory_space<semaphore_mem>>)
    %add3A_294 = arith.constant 5120 : i32
    %add3A_295 = arith.addi %multiple_of3A, %add3A_294 : i32
    %multiple_of3A_296 = tpu.assume_multiple %add3A_295, 8 : i32
    "tpu.region"() ({
      %run_scoped3A = tpu.sem_alloc : memref<!tpu.dma_semaphore, #tpu.memory_space<semaphore_mem>>
      %dma_start3A_341 = arith.constant 0 : i32
      %dma_start3A_342 = tpu.memref_slice %arg4[%multiple_of3A_296, %dma_start3A_341] : memref<204800x128xf32, #tpu.memory_space<hbm>> -> memref<320x128xf32, #tpu.memory_space<hbm>>
      %dma_start3A_343 = arith.constant 0 : i32
      %dma_start3A_344 = tpu.memref_slice %arg4[%multiple_of3A_296, %dma_start3A_343] : memref<204800x128xf32, #tpu.memory_space<hbm>> -> memref<320x128xf32, #tpu.memory_space<hbm>>
      tpu.enqueue_dma source(%arg6 : memref<320x128xf32, #tpu.memory_space<vmem>>) target(%dma_start3A_344 : memref<320x128xf32, #tpu.memory_space<hbm>>) target_semaphore(%run_scoped3A : memref<!tpu.dma_semaphore, #tpu.memory_space<semaphore_mem>>)
      %dma_wait3A_345 = arith.constant 0 : i32
      %dma_wait3A_346 = tpu.memref_slice %arg4[%multiple_of3A_296, %dma_wait3A_345] : memref<204800x128xf32, #tpu.memory_space<hbm>> -> memref<320x128xf32, #tpu.memory_space<hbm>>
      %dma_wait3A_347 = arith.constant 0 : i32
      %dma_wait3A_348 = tpu.memref_slice %arg4[%multiple_of3A_296, %dma_wait3A_347] : memref<204800x128xf32, #tpu.memory_space<hbm>> -> memref<320x128xf32, #tpu.memory_space<hbm>>
      tpu.wait_dma2 semaphore(%run_scoped3A : memref<!tpu.dma_semaphore, #tpu.memory_space<semaphore_mem>>) src(%arg6 : memref<320x128xf32, #tpu.memory_space<vmem>>) dst(%dma_wait3A_348 : memref<320x128xf32, #tpu.memory_space<hbm>>)
      tpu.yield
    }) : () -> ()
    %dma_wait3A_297 = arith.constant 17 : i32
    %dma_wait3A_298 = arith.constant 0 : i32
    %dma_wait3A_299 = tpu.memref_slice %arg5[%dma_wait3A_297, %dma_wait3A_298] : memref<20x320xi32, #tpu.memory_space<vmem>> -> memref<1x320xi32, #tpu.memory_space<vmem>>
    %dma_wait3A_300 = tpu.memref_squeeze %dma_wait3A_299 : memref<1x320xi32, #tpu.memory_space<vmem>> -> memref<320xi32, #tpu.memory_space<vmem>>
    %dma_wait3A_301 = arith.constant 0 : i32
    %dma_wait3A_302 = arith.constant 0 : i32
    %dma_wait3A_303 = tpu.memref_slice %arg2[%dma_wait3A_301, %dma_wait3A_302] : memref<100000x128xf32, #tpu.memory_space<hbm>> -> memref<100000x128xf32, #tpu.memory_space<hbm>>
    tpu.wait_indirect_dma semaphore(%arg9 : memref<!tpu.dma_semaphore, #tpu.memory_space<semaphore_mem>>) src(%dma_wait3A_303 : memref<100000x128xf32, #tpu.memory_space<hbm>>) dst(%arg7 : memref<320x128xf32, #tpu.memory_space<vmem>>)
    %dma_start3A_304 = arith.constant 18 : i32
    %dma_start3A_305 = arith.constant 0 : i32
    %dma_start3A_306 = tpu.memref_slice %arg5[%dma_start3A_304, %dma_start3A_305] : memref<20x320xi32, #tpu.memory_space<vmem>> -> memref<1x320xi32, #tpu.memory_space<vmem>>
    %dma_start3A_307 = tpu.memref_squeeze %dma_start3A_306 : memref<1x320xi32, #tpu.memory_space<vmem>> -> memref<320xi32, #tpu.memory_space<vmem>>
    %dma_start3A_308 = arith.constant 0 : i32
    %dma_start3A_309 = arith.constant 0 : i32
    %dma_start3A_310 = tpu.memref_slice %arg2[%dma_start3A_308, %dma_start3A_309] : memref<100000x128xf32, #tpu.memory_space<hbm>> -> memref<100000x128xf32, #tpu.memory_space<hbm>>
    tpu.enqueue_indirect_dma source(%dma_start3A_310 : memref<100000x128xf32, #tpu.memory_space<hbm>>) target(%arg6 : memref<320x128xf32, #tpu.memory_space<vmem>>) offsets(%dma_start3A_307 : memref<320xi32, #tpu.memory_space<vmem>>) semaphore(%arg8 : memref<!tpu.dma_semaphore, #tpu.memory_space<semaphore_mem>>)
    %add3A_311 = arith.constant 5440 : i32
    %add3A_312 = arith.addi %multiple_of3A, %add3A_311 : i32
    %multiple_of3A_313 = tpu.assume_multiple %add3A_312, 8 : i32
    "tpu.region"() ({
      %run_scoped3A = tpu.sem_alloc : memref<!tpu.dma_semaphore, #tpu.memory_space<semaphore_mem>>
      %dma_start3A_341 = arith.constant 0 : i32
      %dma_start3A_342 = tpu.memref_slice %arg4[%multiple_of3A_313, %dma_start3A_341] : memref<204800x128xf32, #tpu.memory_space<hbm>> -> memref<320x128xf32, #tpu.memory_space<hbm>>
      %dma_start3A_343 = arith.constant 0 : i32
      %dma_start3A_344 = tpu.memref_slice %arg4[%multiple_of3A_313, %dma_start3A_343] : memref<204800x128xf32, #tpu.memory_space<hbm>> -> memref<320x128xf32, #tpu.memory_space<hbm>>
      tpu.enqueue_dma source(%arg7 : memref<320x128xf32, #tpu.memory_space<vmem>>) target(%dma_start3A_344 : memref<320x128xf32, #tpu.memory_space<hbm>>) target_semaphore(%run_scoped3A : memref<!tpu.dma_semaphore, #tpu.memory_space<semaphore_mem>>)
      %dma_wait3A_345 = arith.constant 0 : i32
      %dma_wait3A_346 = tpu.memref_slice %arg4[%multiple_of3A_313, %dma_wait3A_345] : memref<204800x128xf32, #tpu.memory_space<hbm>> -> memref<320x128xf32, #tpu.memory_space<hbm>>
      %dma_wait3A_347 = arith.constant 0 : i32
      %dma_wait3A_348 = tpu.memref_slice %arg4[%multiple_of3A_313, %dma_wait3A_347] : memref<204800x128xf32, #tpu.memory_space<hbm>> -> memref<320x128xf32, #tpu.memory_space<hbm>>
      tpu.wait_dma2 semaphore(%run_scoped3A : memref<!tpu.dma_semaphore, #tpu.memory_space<semaphore_mem>>) src(%arg7 : memref<320x128xf32, #tpu.memory_space<vmem>>) dst(%dma_wait3A_348 : memref<320x128xf32, #tpu.memory_space<hbm>>)
      tpu.yield
    }) : () -> ()
    %dma_wait3A_314 = arith.constant 18 : i32
    %dma_wait3A_315 = arith.constant 0 : i32
    %dma_wait3A_316 = tpu.memref_slice %arg5[%dma_wait3A_314, %dma_wait3A_315] : memref<20x320xi32, #tpu.memory_space<vmem>> -> memref<1x320xi32, #tpu.memory_space<vmem>>
    %dma_wait3A_317 = tpu.memref_squeeze %dma_wait3A_316 : memref<1x320xi32, #tpu.memory_space<vmem>> -> memref<320xi32, #tpu.memory_space<vmem>>
    %dma_wait3A_318 = arith.constant 0 : i32
    %dma_wait3A_319 = arith.constant 0 : i32
    %dma_wait3A_320 = tpu.memref_slice %arg2[%dma_wait3A_318, %dma_wait3A_319] : memref<100000x128xf32, #tpu.memory_space<hbm>> -> memref<100000x128xf32, #tpu.memory_space<hbm>>
    tpu.wait_indirect_dma semaphore(%arg8 : memref<!tpu.dma_semaphore, #tpu.memory_space<semaphore_mem>>) src(%dma_wait3A_320 : memref<100000x128xf32, #tpu.memory_space<hbm>>) dst(%arg6 : memref<320x128xf32, #tpu.memory_space<vmem>>)
    %dma_start3A_321 = arith.constant 19 : i32
    %dma_start3A_322 = arith.constant 0 : i32
    %dma_start3A_323 = tpu.memref_slice %arg5[%dma_start3A_321, %dma_start3A_322] : memref<20x320xi32, #tpu.memory_space<vmem>> -> memref<1x320xi32, #tpu.memory_space<vmem>>
    %dma_start3A_324 = tpu.memref_squeeze %dma_start3A_323 : memref<1x320xi32, #tpu.memory_space<vmem>> -> memref<320xi32, #tpu.memory_space<vmem>>
    %dma_start3A_325 = arith.constant 0 : i32
    %dma_start3A_326 = arith.constant 0 : i32
    %dma_start3A_327 = tpu.memref_slice %arg2[%dma_start3A_325, %dma_start3A_326] : memref<100000x128xf32, #tpu.memory_space<hbm>> -> memref<100000x128xf32, #tpu.memory_space<hbm>>
    tpu.enqueue_indirect_dma source(%dma_start3A_327 : memref<100000x128xf32, #tpu.memory_space<hbm>>) target(%arg7 : memref<320x128xf32, #tpu.memory_space<vmem>>) offsets(%dma_start3A_324 : memref<320xi32, #tpu.memory_space<vmem>>) semaphore(%arg9 : memref<!tpu.dma_semaphore, #tpu.memory_space<semaphore_mem>>)
    %add3A_328 = arith.constant 5760 : i32
    %add3A_329 = arith.addi %multiple_of3A, %add3A_328 : i32
    %multiple_of3A_330 = tpu.assume_multiple %add3A_329, 8 : i32
    "tpu.region"() ({
      %run_scoped3A = tpu.sem_alloc : memref<!tpu.dma_semaphore, #tpu.memory_space<semaphore_mem>>
      %dma_start3A_341 = arith.constant 0 : i32
      %dma_start3A_342 = tpu.memref_slice %arg4[%multiple_of3A_330, %dma_start3A_341] : memref<204800x128xf32, #tpu.memory_space<hbm>> -> memref<320x128xf32, #tpu.memory_space<hbm>>
      %dma_start3A_343 = arith.constant 0 : i32
      %dma_start3A_344 = tpu.memref_slice %arg4[%multiple_of3A_330, %dma_start3A_343] : memref<204800x128xf32, #tpu.memory_space<hbm>> -> memref<320x128xf32, #tpu.memory_space<hbm>>
      tpu.enqueue_dma source(%arg6 : memref<320x128xf32, #tpu.memory_space<vmem>>) target(%dma_start3A_344 : memref<320x128xf32, #tpu.memory_space<hbm>>) target_semaphore(%run_scoped3A : memref<!tpu.dma_semaphore, #tpu.memory_space<semaphore_mem>>)
      %dma_wait3A_345 = arith.constant 0 : i32
      %dma_wait3A_346 = tpu.memref_slice %arg4[%multiple_of3A_330, %dma_wait3A_345] : memref<204800x128xf32, #tpu.memory_space<hbm>> -> memref<320x128xf32, #tpu.memory_space<hbm>>
      %dma_wait3A_347 = arith.constant 0 : i32
      %dma_wait3A_348 = tpu.memref_slice %arg4[%multiple_of3A_330, %dma_wait3A_347] : memref<204800x128xf32, #tpu.memory_space<hbm>> -> memref<320x128xf32, #tpu.memory_space<hbm>>
      tpu.wait_dma2 semaphore(%run_scoped3A : memref<!tpu.dma_semaphore, #tpu.memory_space<semaphore_mem>>) src(%arg6 : memref<320x128xf32, #tpu.memory_space<vmem>>) dst(%dma_wait3A_348 : memref<320x128xf32, #tpu.memory_space<hbm>>)
      tpu.yield
    }) : () -> ()
    %dma_wait3A_331 = arith.constant 19 : i32
    %dma_wait3A_332 = arith.constant 0 : i32
    %dma_wait3A_333 = tpu.memref_slice %arg5[%dma_wait3A_331, %dma_wait3A_332] : memref<20x320xi32, #tpu.memory_space<vmem>> -> memref<1x320xi32, #tpu.memory_space<vmem>>
    %dma_wait3A_334 = tpu.memref_squeeze %dma_wait3A_333 : memref<1x320xi32, #tpu.memory_space<vmem>> -> memref<320xi32, #tpu.memory_space<vmem>>
    %dma_wait3A_335 = arith.constant 0 : i32
    %dma_wait3A_336 = arith.constant 0 : i32
    %dma_wait3A_337 = tpu.memref_slice %arg2[%dma_wait3A_335, %dma_wait3A_336] : memref<100000x128xf32, #tpu.memory_space<hbm>> -> memref<100000x128xf32, #tpu.memory_space<hbm>>
    tpu.wait_indirect_dma semaphore(%arg9 : memref<!tpu.dma_semaphore, #tpu.memory_space<semaphore_mem>>) src(%dma_wait3A_337 : memref<100000x128xf32, #tpu.memory_space<hbm>>) dst(%arg7 : memref<320x128xf32, #tpu.memory_space<vmem>>)
    %add3A_338 = arith.constant 6080 : i32
    %add3A_339 = arith.addi %multiple_of3A, %add3A_338 : i32
    %multiple_of3A_340 = tpu.assume_multiple %add3A_339, 8 : i32
    "tpu.region"() ({
      %run_scoped3A = tpu.sem_alloc : memref<!tpu.dma_semaphore, #tpu.memory_space<semaphore_mem>>
      %dma_start3A_341 = arith.constant 0 : i32
      %dma_start3A_342 = tpu.memref_slice %arg4[%multiple_of3A_340, %dma_start3A_341] : memref<204800x128xf32, #tpu.memory_space<hbm>> -> memref<320x128xf32, #tpu.memory_space<hbm>>
      %dma_start3A_343 = arith.constant 0 : i32
      %dma_start3A_344 = tpu.memref_slice %arg4[%multiple_of3A_340, %dma_start3A_343] : memref<204800x128xf32, #tpu.memory_space<hbm>> -> memref<320x128xf32, #tpu.memory_space<hbm>>
      tpu.enqueue_dma source(%arg7 : memref<320x128xf32, #tpu.memory_space<vmem>>) target(%dma_start3A_344 : memref<320x128xf32, #tpu.memory_space<hbm>>) target_semaphore(%run_scoped3A : memref<!tpu.dma_semaphore, #tpu.memory_space<semaphore_mem>>)
      %dma_wait3A_345 = arith.constant 0 : i32
      %dma_wait3A_346 = tpu.memref_slice %arg4[%multiple_of3A_340, %dma_wait3A_345] : memref<204800x128xf32, #tpu.memory_space<hbm>> -> memref<320x128xf32, #tpu.memory_space<hbm>>
      %dma_wait3A_347 = arith.constant 0 : i32
      %dma_wait3A_348 = tpu.memref_slice %arg4[%multiple_of3A_340, %dma_wait3A_347] : memref<204800x128xf32, #tpu.memory_space<hbm>> -> memref<320x128xf32, #tpu.memory_space<hbm>>
      tpu.wait_dma2 semaphore(%run_scoped3A : memref<!tpu.dma_semaphore, #tpu.memory_space<semaphore_mem>>) src(%arg7 : memref<320x128xf32, #tpu.memory_space<vmem>>) dst(%dma_wait3A_348 : memref<320x128xf32, #tpu.memory_space<hbm>>)
      tpu.yield
    }) : () -> ()
    return
  }
}

module attributes {stable_mosaic.version = 14 : i64} {
  func.func @_layer1_kernel(%arg0: i32, %arg1: memref<1x1024x128xf32, #tpu.memory_space<vmem>>, %arg2: memref<1x1024x128xf32, #tpu.memory_space<vmem>>, %arg3: memref<128x256xf32, #tpu.memory_space<vmem>>, %arg4: memref<64x256xf32, #tpu.memory_space<vmem>>, %arg5: memref<1x256xf32, #tpu.memory_space<vmem>>, %arg6: memref<128x256xf32, #tpu.memory_space<vmem>>, %arg7: memref<64x256xf32, #tpu.memory_space<vmem>>, %arg8: memref<1x256xf32, #tpu.memory_space<vmem>>, %arg9: memref<1x1024x64xf32, #tpu.memory_space<vmem>>, %arg10: memref<1x1024x64xf32, #tpu.memory_space<vmem>>, %arg11: memref<1024x64xf32, #tpu.memory_space<vmem>>, %arg12: memref<1024x64xf32, #tpu.memory_space<vmem>>, %arg13: memref<1024x64xf32, #tpu.memory_space<vmem>>, %arg14: memref<1024x64xf32, #tpu.memory_space<vmem>>) attributes {dimension_semantics = [#tpu.dimension_semantics<arbitrary>], iteration_bounds = array<i64: 200>, scalar_prefetch = 0 : i64, scratch_operands = 4 : i64, tpu.core_type = #tpu.core_type<tc>, window_params = [{transform_indices = @transform_0, window_bounds = array<i64: 1, 1024, 128>}, {transform_indices = @transform_1, window_bounds = array<i64: 1, 1024, 128>}, {pipeline_mode = #tpu.pipeline_mode<synchronous>, transform_indices = @transform_2, window_bounds = array<i64: 128, 256>}, {pipeline_mode = #tpu.pipeline_mode<synchronous>, transform_indices = @transform_3, window_bounds = array<i64: 64, 256>}, {pipeline_mode = #tpu.pipeline_mode<synchronous>, transform_indices = @transform_4, window_bounds = array<i64: 1, 256>}, {pipeline_mode = #tpu.pipeline_mode<synchronous>, transform_indices = @transform_5, window_bounds = array<i64: 128, 256>}, {pipeline_mode = #tpu.pipeline_mode<synchronous>, transform_indices = @transform_6, window_bounds = array<i64: 64, 256>}, {pipeline_mode = #tpu.pipeline_mode<synchronous>, transform_indices = @transform_7, window_bounds = array<i64: 1, 256>}, {transform_indices = @transform_8, window_bounds = array<i64: 1, 1024, 64>}, {transform_indices = @transform_9, window_bounds = array<i64: 1, 1024, 64>}]} {
    %eq3A = arith.constant 0 : i32
    %eq3A_0 = arith.cmpi eq, %arg0, %eq3A : i32
    %convert_element_type3A = arith.extui %eq3A_0 : i1 to i32
    %cond3A = arith.constant 0 : i32
    %cond3A_1 = arith.cmpi ne, %convert_element_type3A, %cond3A : i32
    scf.if %cond3A_1 {
      %broadcast_in_dim3A = arith.constant 0.000000e+00 : f32
      %broadcast_in_dim3A_185 = vector.broadcast %broadcast_in_dim3A : f32 to vector<1024x64xf32>
      %swap3A_186 = arith.constant 0 : index
      %swap3A_187 = arith.constant 0 : index
      %swap3A_188 = vector.load %arg11[%swap3A_186, %swap3A_187] : memref<1024x64xf32, #tpu.memory_space<vmem>>, vector<1024x64xf32>
      tpu.vector_store %arg11[%swap3A_186, %swap3A_187], %broadcast_in_dim3A_185 {strides = array<i32>} : memref<1024x64xf32, #tpu.memory_space<vmem>>, vector<1024x64xf32>,
      %broadcast_in_dim3A_189 = arith.constant 0.000000e+00 : f32
      %broadcast_in_dim3A_190 = vector.broadcast %broadcast_in_dim3A_189 : f32 to vector<1024x64xf32>
      %swap3A_191 = arith.constant 0 : index
      %swap3A_192 = arith.constant 0 : index
      %swap3A_193 = vector.load %arg12[%swap3A_191, %swap3A_192] : memref<1024x64xf32, #tpu.memory_space<vmem>>, vector<1024x64xf32>
      tpu.vector_store %arg12[%swap3A_191, %swap3A_192], %broadcast_in_dim3A_190 {strides = array<i32>} : memref<1024x64xf32, #tpu.memory_space<vmem>>, vector<1024x64xf32>,
      %broadcast_in_dim3A_194 = arith.constant 0.000000e+00 : f32
      %broadcast_in_dim3A_195 = vector.broadcast %broadcast_in_dim3A_194 : f32 to vector<1024x64xf32>
      %swap3A_196 = arith.constant 0 : index
      %swap3A_197 = arith.constant 0 : index
      %swap3A_198 = vector.load %arg13[%swap3A_196, %swap3A_197] : memref<1024x64xf32, #tpu.memory_space<vmem>>, vector<1024x64xf32>
      tpu.vector_store %arg13[%swap3A_196, %swap3A_197], %broadcast_in_dim3A_195 {strides = array<i32>} : memref<1024x64xf32, #tpu.memory_space<vmem>>, vector<1024x64xf32>,
      %broadcast_in_dim3A_199 = arith.constant 0.000000e+00 : f32
      %broadcast_in_dim3A_200 = vector.broadcast %broadcast_in_dim3A_199 : f32 to vector<1024x64xf32>
      %swap3A_201 = arith.constant 0 : index
      %swap3A_202 = arith.constant 0 : index
      %swap3A_203 = vector.load %arg14[%swap3A_201, %swap3A_202] : memref<1024x64xf32, #tpu.memory_space<vmem>>, vector<1024x64xf32>
      tpu.vector_store %arg14[%swap3A_201, %swap3A_202], %broadcast_in_dim3A_200 {strides = array<i32>} : memref<1024x64xf32, #tpu.memory_space<vmem>>, vector<1024x64xf32>,
    } else {
    }
    %get3A = arith.constant 0 : index
    %get3A_2 = arith.constant 0 : index
    %get3A_3 = arith.constant 0 : index
    %get3A_4 = vector.load %arg1[%get3A, %get3A_2, %get3A_3] : memref<1x1024x128xf32, #tpu.memory_space<vmem>>, vector<1x1024x128xf32>
    %get3A_5 = vector.shape_cast %get3A_4 : vector<1x1024x128xf32> to vector<1024x128xf32>
    %get3A_6 = arith.constant 0 : index
    %get3A_7 = arith.constant 0 : index
    %get3A_8 = vector.load %arg3[%get3A_6, %get3A_7] : memref<128x256xf32, #tpu.memory_space<vmem>>, vector<128x256xf32>
    %bitcast_convert_type3A = tpu.bitcast %get3A_5 : vector<1024x128xf32> -> vector<1024x128xi32>
    %add3A = arith.constant 32767 : i32
    %add3A_9 = vector.broadcast %add3A : i32 to vector<1024x128xi32>
    %add3A_10 = arith.addi %bitcast_convert_type3A, %add3A_9 : vector<1024x128xi32>
    %shift_right_logical3A = arith.constant 16 : i32
    %shift_right_logical3A_11 = vector.broadcast %shift_right_logical3A : i32 to vector<1024x128xi32>
    %shift_right_logical3A_12 = arith.shrui %bitcast_convert_type3A, %shift_right_logical3A_11 : vector<1024x128xi32>
    %and3A = arith.constant 1 : i32
    %and3A_13 = vector.broadcast %and3A : i32 to vector<1024x128xi32>
    %and3A_14 = arith.andi %shift_right_logical3A_12, %and3A_13 : vector<1024x128xi32>
    %add3A_15 = arith.addi %add3A_10, %and3A_14 : vector<1024x128xi32>
    %and3A_16 = arith.constant -65536 : i32
    %and3A_17 = vector.broadcast %and3A_16 : i32 to vector<1024x128xi32>
    %and3A_18 = arith.andi %add3A_15, %and3A_17 : vector<1024x128xi32>
    %bitcast_convert_type3A_19 = tpu.bitcast %and3A_18 : vector<1024x128xi32> -> vector<1024x128xf32>
    %dot_general3A = arith.constant dense<0.000000e+00> : vector<1024x256xf32>
    %dot_general3A_20 = tpu.matmul %bitcast_convert_type3A_19, %get3A_8, %dot_general3A {dimension_numbers = #tpu.dot_dimension_numbers<[1], [0], [0], [1], [0, 0, 1, 1], [], []>, transpose_lhs_hint = false} : vector<1024x128xf32>, vector<128x256xf32>, vector<1024x256xf32> -> vector<1024x256xf32>
    %get3A_21 = arith.constant 0 : index
    %get3A_22 = arith.constant 0 : index
    %get3A_23 = vector.load %arg11[%get3A_21, %get3A_22] : memref<1024x64xf32, #tpu.memory_space<vmem>>, vector<1024x64xf32>
    %get3A_24 = arith.constant 0 : index
    %get3A_25 = arith.constant 0 : index
    %get3A_26 = vector.load %arg4[%get3A_24, %get3A_25] : memref<64x256xf32, #tpu.memory_space<vmem>>, vector<64x256xf32>
    %bitcast_convert_type3A_27 = tpu.bitcast %get3A_23 : vector<1024x64xf32> -> vector<1024x64xi32>
    %add3A_28 = arith.constant 32767 : i32
    %add3A_29 = vector.broadcast %add3A_28 : i32 to vector<1024x64xi32>
    %add3A_30 = arith.addi %bitcast_convert_type3A_27, %add3A_29 : vector<1024x64xi32>
    %shift_right_logical3A_31 = arith.constant 16 : i32
    %shift_right_logical3A_32 = vector.broadcast %shift_right_logical3A_31 : i32 to vector<1024x64xi32>
    %shift_right_logical3A_33 = arith.shrui %bitcast_convert_type3A_27, %shift_right_logical3A_32 : vector<1024x64xi32>
    %and3A_34 = arith.constant 1 : i32
    %and3A_35 = vector.broadcast %and3A_34 : i32 to vector<1024x64xi32>
    %and3A_36 = arith.andi %shift_right_logical3A_33, %and3A_35 : vector<1024x64xi32>
    %add3A_37 = arith.addi %add3A_30, %and3A_36 : vector<1024x64xi32>
    %and3A_38 = arith.constant -65536 : i32
    %and3A_39 = vector.broadcast %and3A_38 : i32 to vector<1024x64xi32>
    %and3A_40 = arith.andi %add3A_37, %and3A_39 : vector<1024x64xi32>
    %bitcast_convert_type3A_41 = tpu.bitcast %and3A_40 : vector<1024x64xi32> -> vector<1024x64xf32>
    %dot_general3A_42 = arith.constant dense<0.000000e+00> : vector<1024x256xf32>
    %dot_general3A_43 = tpu.matmul %bitcast_convert_type3A_41, %get3A_26, %dot_general3A_42 {dimension_numbers = #tpu.dot_dimension_numbers<[1], [0], [0], [1], [0, 0, 1, 1], [], []>, transpose_lhs_hint = false} : vector<1024x64xf32>, vector<64x256xf32>, vector<1024x256xf32> -> vector<1024x256xf32>
    %add3A_44 = arith.addf %dot_general3A_20, %dot_general3A_43 : vector<1024x256xf32>
    %get3A_45 = arith.constant 0 : index
    %get3A_46 = arith.constant 0 : index
    %get3A_47 = vector.load %arg5[%get3A_45, %get3A_46] : memref<1x256xf32, #tpu.memory_space<vmem>>, vector<1x256xf32>
    %add3A_48 = vector.broadcast %get3A_47 : vector<1x256xf32> to vector<1024x256xf32>
    %add3A_49 = arith.addf %add3A_44, %add3A_48 : vector<1024x256xf32>
    %slice3A = vector.extract_strided_slice %add3A_49 {offsets = [0, 0], sizes = [1024, 64], strides = [1, 1]} : vector<1024x256xf32> to vector<1024x64xf32>
    %logistic3A = arith.negf %slice3A : vector<1024x64xf32>
    %logistic3A_50 = math.exp %logistic3A : vector<1024x64xf32>
    %logistic3A_51 = arith.constant 1.000000e+00 : f32
    %logistic3A_52 = vector.broadcast %logistic3A_51 : f32 to vector<1024x64xf32>
    %logistic3A_53 = arith.addf %logistic3A_52, %logistic3A_50 : vector<1024x64xf32>
    %logistic3A_54 = arith.divf %logistic3A_52, %logistic3A_53 : vector<1024x64xf32>
    %slice3A_55 = vector.extract_strided_slice %add3A_49 {offsets = [0, 64], sizes = [1024, 64], strides = [1, 1]} : vector<1024x256xf32> to vector<1024x64xf32>
    %logistic3A_56 = arith.negf %slice3A_55 : vector<1024x64xf32>
    %logistic3A_57 = math.exp %logistic3A_56 : vector<1024x64xf32>
    %logistic3A_58 = arith.constant 1.000000e+00 : f32
    %logistic3A_59 = vector.broadcast %logistic3A_58 : f32 to vector<1024x64xf32>
    %logistic3A_60 = arith.addf %logistic3A_59, %logistic3A_57 : vector<1024x64xf32>
    %logistic3A_61 = arith.divf %logistic3A_59, %logistic3A_60 : vector<1024x64xf32>
    %slice3A_62 = vector.extract_strided_slice %add3A_49 {offsets = [0, 128], sizes = [1024, 64], strides = [1, 1]} : vector<1024x256xf32> to vector<1024x64xf32>
    %tanh3A = math.tanh %slice3A_62 : vector<1024x64xf32>
    %slice3A_63 = vector.extract_strided_slice %add3A_49 {offsets = [0, 192], sizes = [1024, 64], strides = [1, 1]} : vector<1024x256xf32> to vector<1024x64xf32>
    %logistic3A_64 = arith.negf %slice3A_63 : vector<1024x64xf32>
    %logistic3A_65 = math.exp %logistic3A_64 : vector<1024x64xf32>
    %logistic3A_66 = arith.constant 1.000000e+00 : f32
    %logistic3A_67 = vector.broadcast %logistic3A_66 : f32 to vector<1024x64xf32>
    %logistic3A_68 = arith.addf %logistic3A_67, %logistic3A_65 : vector<1024x64xf32>
    %logistic3A_69 = arith.divf %logistic3A_67, %logistic3A_68 : vector<1024x64xf32>
    %get3A_70 = arith.constant 0 : index
    %get3A_71 = arith.constant 0 : index
    %get3A_72 = vector.load %arg12[%get3A_70, %get3A_71] : memref<1024x64xf32, #tpu.memory_space<vmem>>, vector<1024x64xf32>
    %mul3A = arith.mulf %logistic3A_61, %get3A_72 : vector<1024x64xf32>
    %mul3A_73 = arith.mulf %logistic3A_54, %tanh3A : vector<1024x64xf32>
    %add3A_74 = arith.addf %mul3A, %mul3A_73 : vector<1024x64xf32>
    %tanh3A_75 = math.tanh %add3A_74 : vector<1024x64xf32>
    %mul3A_76 = arith.mulf %logistic3A_69, %tanh3A_75 : vector<1024x64xf32>
    %swap3A = arith.constant 0 : index
    %swap3A_77 = arith.constant 0 : index
    %swap3A_78 = vector.load %arg12[%swap3A, %swap3A_77] : memref<1024x64xf32, #tpu.memory_space<vmem>>, vector<1024x64xf32>
    tpu.vector_store %arg12[%swap3A, %swap3A_77], %add3A_74 {strides = array<i32>} : memref<1024x64xf32, #tpu.memory_space<vmem>>, vector<1024x64xf32>,
    %swap3A_79 = arith.constant 0 : index
    %swap3A_80 = arith.constant 0 : index
    %swap3A_81 = vector.load %arg11[%swap3A_79, %swap3A_80] : memref<1024x64xf32, #tpu.memory_space<vmem>>, vector<1024x64xf32>
    tpu.vector_store %arg11[%swap3A_79, %swap3A_80], %mul3A_76 {strides = array<i32>} : memref<1024x64xf32, #tpu.memory_space<vmem>>, vector<1024x64xf32>,
    %swap3A_82 = arith.constant 0 : index
    %swap3A_83 = arith.constant 0 : index
    %swap3A_84 = arith.constant 0 : index
    %swap3A_85 = vector.load %arg9[%swap3A_82, %swap3A_83, %swap3A_84] : memref<1x1024x64xf32, #tpu.memory_space<vmem>>, vector<1x1024x64xf32>
    %swap3A_86 = vector.shape_cast %swap3A_85 : vector<1x1024x64xf32> to vector<1024x64xf32>
    %swap3A_87 = vector.shape_cast %mul3A_76 : vector<1024x64xf32> to vector<1x1024x64xf32>
    tpu.vector_store %arg9[%swap3A_82, %swap3A_83, %swap3A_84], %swap3A_87 {strides = array<i32>} : memref<1x1024x64xf32, #tpu.memory_space<vmem>>, vector<1x1024x64xf32>,
    %get3A_88 = arith.constant 0 : index
    %get3A_89 = arith.constant 0 : index
    %get3A_90 = arith.constant 0 : index
    %get3A_91 = vector.load %arg2[%get3A_88, %get3A_89, %get3A_90] : memref<1x1024x128xf32, #tpu.memory_space<vmem>>, vector<1x1024x128xf32>
    %get3A_92 = vector.shape_cast %get3A_91 : vector<1x1024x128xf32> to vector<1024x128xf32>
    %get3A_93 = arith.constant 0 : index
    %get3A_94 = arith.constant 0 : index
    %get3A_95 = vector.load %arg6[%get3A_93, %get3A_94] : memref<128x256xf32, #tpu.memory_space<vmem>>, vector<128x256xf32>
    %bitcast_convert_type3A_96 = tpu.bitcast %get3A_92 : vector<1024x128xf32> -> vector<1024x128xi32>
    %add3A_97 = arith.constant 32767 : i32
    %add3A_98 = vector.broadcast %add3A_97 : i32 to vector<1024x128xi32>
    %add3A_99 = arith.addi %bitcast_convert_type3A_96, %add3A_98 : vector<1024x128xi32>
    %shift_right_logical3A_100 = arith.constant 16 : i32
    %shift_right_logical3A_101 = vector.broadcast %shift_right_logical3A_100 : i32 to vector<1024x128xi32>
    %shift_right_logical3A_102 = arith.shrui %bitcast_convert_type3A_96, %shift_right_logical3A_101 : vector<1024x128xi32>
    %and3A_103 = arith.constant 1 : i32
    %and3A_104 = vector.broadcast %and3A_103 : i32 to vector<1024x128xi32>
    %and3A_105 = arith.andi %shift_right_logical3A_102, %and3A_104 : vector<1024x128xi32>
    %add3A_106 = arith.addi %add3A_99, %and3A_105 : vector<1024x128xi32>
    %and3A_107 = arith.constant -65536 : i32
    %and3A_108 = vector.broadcast %and3A_107 : i32 to vector<1024x128xi32>
    %and3A_109 = arith.andi %add3A_106, %and3A_108 : vector<1024x128xi32>
    %bitcast_convert_type3A_110 = tpu.bitcast %and3A_109 : vector<1024x128xi32> -> vector<1024x128xf32>
    %dot_general3A_111 = arith.constant dense<0.000000e+00> : vector<1024x256xf32>
    %dot_general3A_112 = tpu.matmul %bitcast_convert_type3A_110, %get3A_95, %dot_general3A_111 {dimension_numbers = #tpu.dot_dimension_numbers<[1], [0], [0], [1], [0, 0, 1, 1], [], []>, transpose_lhs_hint = false} : vector<1024x128xf32>, vector<128x256xf32>, vector<1024x256xf32> -> vector<1024x256xf32>
    %get3A_113 = arith.constant 0 : index
    %get3A_114 = arith.constant 0 : index
    %get3A_115 = vector.load %arg13[%get3A_113, %get3A_114] : memref<1024x64xf32, #tpu.memory_space<vmem>>, vector<1024x64xf32>
    %get3A_116 = arith.constant 0 : index
    %get3A_117 = arith.constant 0 : index
    %get3A_118 = vector.load %arg7[%get3A_116, %get3A_117] : memref<64x256xf32, #tpu.memory_space<vmem>>, vector<64x256xf32>
    %bitcast_convert_type3A_119 = tpu.bitcast %get3A_115 : vector<1024x64xf32> -> vector<1024x64xi32>
    %add3A_120 = arith.constant 32767 : i32
    %add3A_121 = vector.broadcast %add3A_120 : i32 to vector<1024x64xi32>
    %add3A_122 = arith.addi %bitcast_convert_type3A_119, %add3A_121 : vector<1024x64xi32>
    %shift_right_logical3A_123 = arith.constant 16 : i32
    %shift_right_logical3A_124 = vector.broadcast %shift_right_logical3A_123 : i32 to vector<1024x64xi32>
    %shift_right_logical3A_125 = arith.shrui %bitcast_convert_type3A_119, %shift_right_logical3A_124 : vector<1024x64xi32>
    %and3A_126 = arith.constant 1 : i32
    %and3A_127 = vector.broadcast %and3A_126 : i32 to vector<1024x64xi32>
    %and3A_128 = arith.andi %shift_right_logical3A_125, %and3A_127 : vector<1024x64xi32>
    %add3A_129 = arith.addi %add3A_122, %and3A_128 : vector<1024x64xi32>
    %and3A_130 = arith.constant -65536 : i32
    %and3A_131 = vector.broadcast %and3A_130 : i32 to vector<1024x64xi32>
    %and3A_132 = arith.andi %add3A_129, %and3A_131 : vector<1024x64xi32>
    %bitcast_convert_type3A_133 = tpu.bitcast %and3A_132 : vector<1024x64xi32> -> vector<1024x64xf32>
    %dot_general3A_134 = arith.constant dense<0.000000e+00> : vector<1024x256xf32>
    %dot_general3A_135 = tpu.matmul %bitcast_convert_type3A_133, %get3A_118, %dot_general3A_134 {dimension_numbers = #tpu.dot_dimension_numbers<[1], [0], [0], [1], [0, 0, 1, 1], [], []>, transpose_lhs_hint = false} : vector<1024x64xf32>, vector<64x256xf32>, vector<1024x256xf32> -> vector<1024x256xf32>
    %add3A_136 = arith.addf %dot_general3A_112, %dot_general3A_135 : vector<1024x256xf32>
    %get3A_137 = arith.constant 0 : index
    %get3A_138 = arith.constant 0 : index
    %get3A_139 = vector.load %arg8[%get3A_137, %get3A_138] : memref<1x256xf32, #tpu.memory_space<vmem>>, vector<1x256xf32>
    %add3A_140 = vector.broadcast %get3A_139 : vector<1x256xf32> to vector<1024x256xf32>
    %add3A_141 = arith.addf %add3A_136, %add3A_140 : vector<1024x256xf32>
    %slice3A_142 = vector.extract_strided_slice %add3A_141 {offsets = [0, 0], sizes = [1024, 64], strides = [1, 1]} : vector<1024x256xf32> to vector<1024x64xf32>
    %logistic3A_143 = arith.negf %slice3A_142 : vector<1024x64xf32>
    %logistic3A_144 = math.exp %logistic3A_143 : vector<1024x64xf32>
    %logistic3A_145 = arith.constant 1.000000e+00 : f32
    %logistic3A_146 = vector.broadcast %logistic3A_145 : f32 to vector<1024x64xf32>
    %logistic3A_147 = arith.addf %logistic3A_146, %logistic3A_144 : vector<1024x64xf32>
    %logistic3A_148 = arith.divf %logistic3A_146, %logistic3A_147 : vector<1024x64xf32>
    %slice3A_149 = vector.extract_strided_slice %add3A_141 {offsets = [0, 64], sizes = [1024, 64], strides = [1, 1]} : vector<1024x256xf32> to vector<1024x64xf32>
    %logistic3A_150 = arith.negf %slice3A_149 : vector<1024x64xf32>
    %logistic3A_151 = math.exp %logistic3A_150 : vector<1024x64xf32>
    %logistic3A_152 = arith.constant 1.000000e+00 : f32
    %logistic3A_153 = vector.broadcast %logistic3A_152 : f32 to vector<1024x64xf32>
    %logistic3A_154 = arith.addf %logistic3A_153, %logistic3A_151 : vector<1024x64xf32>
    %logistic3A_155 = arith.divf %logistic3A_153, %logistic3A_154 : vector<1024x64xf32>
    %slice3A_156 = vector.extract_strided_slice %add3A_141 {offsets = [0, 128], sizes = [1024, 64], strides = [1, 1]} : vector<1024x256xf32> to vector<1024x64xf32>
    %tanh3A_157 = math.tanh %slice3A_156 : vector<1024x64xf32>
    %slice3A_158 = vector.extract_strided_slice %add3A_141 {offsets = [0, 192], sizes = [1024, 64], strides = [1, 1]} : vector<1024x256xf32> to vector<1024x64xf32>
    %logistic3A_159 = arith.negf %slice3A_158 : vector<1024x64xf32>
    %logistic3A_160 = math.exp %logistic3A_159 : vector<1024x64xf32>
    %logistic3A_161 = arith.constant 1.000000e+00 : f32
    %logistic3A_162 = vector.broadcast %logistic3A_161 : f32 to vector<1024x64xf32>
    %logistic3A_163 = arith.addf %logistic3A_162, %logistic3A_160 : vector<1024x64xf32>
    %logistic3A_164 = arith.divf %logistic3A_162, %logistic3A_163 : vector<1024x64xf32>
    %get3A_165 = arith.constant 0 : index
    %get3A_166 = arith.constant 0 : index
    %get3A_167 = vector.load %arg14[%get3A_165, %get3A_166] : memref<1024x64xf32, #tpu.memory_space<vmem>>, vector<1024x64xf32>
    %mul3A_168 = arith.mulf %logistic3A_155, %get3A_167 : vector<1024x64xf32>
    %mul3A_169 = arith.mulf %logistic3A_148, %tanh3A_157 : vector<1024x64xf32>
    %add3A_170 = arith.addf %mul3A_168, %mul3A_169 : vector<1024x64xf32>
    %tanh3A_171 = math.tanh %add3A_170 : vector<1024x64xf32>
    %mul3A_172 = arith.mulf %logistic3A_164, %tanh3A_171 : vector<1024x64xf32>
    %swap3A_173 = arith.constant 0 : index
    %swap3A_174 = arith.constant 0 : index
    %swap3A_175 = vector.load %arg14[%swap3A_173, %swap3A_174] : memref<1024x64xf32, #tpu.memory_space<vmem>>, vector<1024x64xf32>
    tpu.vector_store %arg14[%swap3A_173, %swap3A_174], %add3A_170 {strides = array<i32>} : memref<1024x64xf32, #tpu.memory_space<vmem>>, vector<1024x64xf32>,
    %swap3A_176 = arith.constant 0 : index
    %swap3A_177 = arith.constant 0 : index
    %swap3A_178 = vector.load %arg13[%swap3A_176, %swap3A_177] : memref<1024x64xf32, #tpu.memory_space<vmem>>, vector<1024x64xf32>
    tpu.vector_store %arg13[%swap3A_176, %swap3A_177], %mul3A_172 {strides = array<i32>} : memref<1024x64xf32, #tpu.memory_space<vmem>>, vector<1024x64xf32>,
    %swap3A_179 = arith.constant 0 : index
    %swap3A_180 = arith.constant 0 : index
    %swap3A_181 = arith.constant 0 : index
    %swap3A_182 = vector.load %arg10[%swap3A_179, %swap3A_180, %swap3A_181] : memref<1x1024x64xf32, #tpu.memory_space<vmem>>, vector<1x1024x64xf32>
    %swap3A_183 = vector.shape_cast %swap3A_182 : vector<1x1024x64xf32> to vector<1024x64xf32>
    %swap3A_184 = vector.shape_cast %mul3A_172 : vector<1024x64xf32> to vector<1x1024x64xf32>
    tpu.vector_store %arg10[%swap3A_179, %swap3A_180, %swap3A_181], %swap3A_184 {strides = array<i32>} : memref<1x1024x64xf32, #tpu.memory_space<vmem>>, vector<1x1024x64xf32>,
    return
  }
  func.func @transform_0(%arg0: i32) -> (i32, i32, i32) {
    %c0_i32 = arith.constant 0 : i32
    %c0_i32_0 = arith.constant 0 : i32
    %c0_i32_1 = arith.constant 0 : i32
    return %arg0, %c0_i32, %c0_i32_0 : i32, i32, i32
  }
  func.func @transform_1(%arg0: i32) -> (i32, i32, i32) {
    %sub3A = arith.constant 199 : i32
    %sub3A_0 = arith.subi %sub3A, %arg0 : i32
    %c0_i32 = arith.constant 0 : i32
    %c0_i32_1 = arith.constant 0 : i32
    %c0_i32_2 = arith.constant 0 : i32
    return %sub3A_0, %c0_i32, %c0_i32_1 : i32, i32, i32
  }
  func.func @transform_2(%arg0: i32) -> (i32, i32) {
    %c0_i32 = arith.constant 0 : i32
    %c0_i32_0 = arith.constant 0 : i32
    %c0_i32_1 = arith.constant 0 : i32
    return %c0_i32, %c0_i32_0 : i32, i32
  }
  func.func @transform_3(%arg0: i32) -> (i32, i32) {
    %c0_i32 = arith.constant 0 : i32
    %c0_i32_0 = arith.constant 0 : i32
    %c0_i32_1 = arith.constant 0 : i32
    return %c0_i32, %c0_i32_0 : i32, i32
  }
  func.func @transform_4(%arg0: i32) -> (i32, i32) {
    %c0_i32 = arith.constant 0 : i32
    %c0_i32_0 = arith.constant 0 : i32
    %c0_i32_1 = arith.constant 0 : i32
    return %c0_i32, %c0_i32_0 : i32, i32
  }
  func.func @transform_5(%arg0: i32) -> (i32, i32) {
    %c0_i32 = arith.constant 0 : i32
    %c0_i32_0 = arith.constant 0 : i32
    %c0_i32_1 = arith.constant 0 : i32
    return %c0_i32, %c0_i32_0 : i32, i32
  }
  func.func @transform_6(%arg0: i32) -> (i32, i32) {
    %c0_i32 = arith.constant 0 : i32
    %c0_i32_0 = arith.constant 0 : i32
    %c0_i32_1 = arith.constant 0 : i32
    return %c0_i32, %c0_i32_0 : i32, i32
  }
  func.func @transform_7(%arg0: i32) -> (i32, i32) {
    %c0_i32 = arith.constant 0 : i32
    %c0_i32_0 = arith.constant 0 : i32
    %c0_i32_1 = arith.constant 0 : i32
    return %c0_i32, %c0_i32_0 : i32, i32
  }
  func.func @transform_8(%arg0: i32) -> (i32, i32, i32) {
    %c0_i32 = arith.constant 0 : i32
    %c0_i32_0 = arith.constant 0 : i32
    %c0_i32_1 = arith.constant 0 : i32
    return %arg0, %c0_i32, %c0_i32_0 : i32, i32, i32
  }
  func.func @transform_9(%arg0: i32) -> (i32, i32, i32) {
    %sub3A = arith.constant 199 : i32
    %sub3A_0 = arith.subi %sub3A, %arg0 : i32
    %c0_i32 = arith.constant 0 : i32
    %c0_i32_1 = arith.constant 0 : i32
    %c0_i32_2 = arith.constant 0 : i32
    return %sub3A_0, %c0_i32, %c0_i32_1 : i32, i32, i32
  }
}

module attributes {stable_mosaic.version = 14 : i64} {
  func.func @_layer2_kernel(%arg0: i32, %arg1: memref<1x1024x64xf32, #tpu.memory_space<vmem>>, %arg2: memref<1x1024x64xf32, #tpu.memory_space<vmem>>, %arg3: memref<1x1024x64xf32, #tpu.memory_space<vmem>>, %arg4: memref<1x1024x64xf32, #tpu.memory_space<vmem>>, %arg5: memref<64x256xf32, #tpu.memory_space<vmem>>, %arg6: memref<64x256xf32, #tpu.memory_space<vmem>>, %arg7: memref<64x256xf32, #tpu.memory_space<vmem>>, %arg8: memref<1x256xf32, #tpu.memory_space<vmem>>, %arg9: memref<64x256xf32, #tpu.memory_space<vmem>>, %arg10: memref<64x256xf32, #tpu.memory_space<vmem>>, %arg11: memref<64x256xf32, #tpu.memory_space<vmem>>, %arg12: memref<1x256xf32, #tpu.memory_space<vmem>>, %arg13: memref<1x64x3xf32, #tpu.memory_space<vmem>>, %arg14: memref<1x64x3xf32, #tpu.memory_space<vmem>>, %arg15: memref<1x3xf32, #tpu.memory_space<vmem>>, %arg16: memref<1024x3xf32, #tpu.memory_space<vmem>>, %arg17: memref<1024x64xf32, #tpu.memory_space<vmem>>, %arg18: memref<1024x64xf32, #tpu.memory_space<vmem>>, %arg19: memref<1024x64xf32, #tpu.memory_space<vmem>>, %arg20: memref<1024x64xf32, #tpu.memory_space<vmem>>, %arg21: memref<1024x3xf32, #tpu.memory_space<vmem>>) attributes {dimension_semantics = [#tpu.dimension_semantics<arbitrary>], iteration_bounds = array<i64: 200>, scalar_prefetch = 0 : i64, scratch_operands = 5 : i64, tpu.core_type = #tpu.core_type<tc>, window_params = [{transform_indices = @transform_0, window_bounds = array<i64: 1, 1024, 64>}, {transform_indices = @transform_1, window_bounds = array<i64: 1, 1024, 64>}, {transform_indices = @transform_2, window_bounds = array<i64: 1, 1024, 64>}, {transform_indices = @transform_3, window_bounds = array<i64: 1, 1024, 64>}, {pipeline_mode = #tpu.pipeline_mode<synchronous>, transform_indices = @transform_4, window_bounds = array<i64: 64, 256>}, {pipeline_mode = #tpu.pipeline_mode<synchronous>, transform_indices = @transform_5, window_bounds = array<i64: 64, 256>}, {pipeline_mode = #tpu.pipeline_mode<synchronous>, transform_indices = @transform_6, window_bounds = array<i64: 64, 256>}, {pipeline_mode = #tpu.pipeline_mode<synchronous>, transform_indices = @transform_7, window_bounds = array<i64: 1, 256>}, {pipeline_mode = #tpu.pipeline_mode<synchronous>, transform_indices = @transform_8, window_bounds = array<i64: 64, 256>}, {pipeline_mode = #tpu.pipeline_mode<synchronous>, transform_indices = @transform_9, window_bounds = array<i64: 64, 256>}, {pipeline_mode = #tpu.pipeline_mode<synchronous>, transform_indices = @transform_10, window_bounds = array<i64: 64, 256>}, {pipeline_mode = #tpu.pipeline_mode<synchronous>, transform_indices = @transform_11, window_bounds = array<i64: 1, 256>}, {transform_indices = @transform_12, window_bounds = array<i64: 1, 64, 3>}, {transform_indices = @transform_13, window_bounds = array<i64: 1, 64, 3>}, {pipeline_mode = #tpu.pipeline_mode<synchronous>, transform_indices = @transform_14, window_bounds = array<i64: 1, 3>}, {pipeline_mode = #tpu.pipeline_mode<synchronous>, transform_indices = @transform_15, window_bounds = array<i64: 1024, 3>}]} {
    %eq3A = arith.constant 0 : i32
    %eq3A_0 = arith.cmpi eq, %arg0, %eq3A : i32
    %convert_element_type3A = arith.extui %eq3A_0 : i1 to i32
    %cond3A = arith.constant 0 : i32
    %cond3A_1 = arith.cmpi ne, %convert_element_type3A, %cond3A : i32
    scf.if %cond3A_1 {
      %broadcast_in_dim3A = arith.constant 0.000000e+00 : f32
      %broadcast_in_dim3A_282 = vector.broadcast %broadcast_in_dim3A : f32 to vector<1024x64xf32>
      %swap3A_283 = arith.constant 0 : index
      %swap3A_284 = arith.constant 0 : index
      %swap3A_285 = vector.load %arg17[%swap3A_283, %swap3A_284] : memref<1024x64xf32, #tpu.memory_space<vmem>>, vector<1024x64xf32>
      tpu.vector_store %arg17[%swap3A_283, %swap3A_284], %broadcast_in_dim3A_282 {strides = array<i32>} : memref<1024x64xf32, #tpu.memory_space<vmem>>, vector<1024x64xf32>,
      %broadcast_in_dim3A_286 = arith.constant 0.000000e+00 : f32
      %broadcast_in_dim3A_287 = vector.broadcast %broadcast_in_dim3A_286 : f32 to vector<1024x64xf32>
      %swap3A_288 = arith.constant 0 : index
      %swap3A_289 = arith.constant 0 : index
      %swap3A_290 = vector.load %arg18[%swap3A_288, %swap3A_289] : memref<1024x64xf32, #tpu.memory_space<vmem>>, vector<1024x64xf32>
      tpu.vector_store %arg18[%swap3A_288, %swap3A_289], %broadcast_in_dim3A_287 {strides = array<i32>} : memref<1024x64xf32, #tpu.memory_space<vmem>>, vector<1024x64xf32>,
      %broadcast_in_dim3A_291 = arith.constant 0.000000e+00 : f32
      %broadcast_in_dim3A_292 = vector.broadcast %broadcast_in_dim3A_291 : f32 to vector<1024x64xf32>
      %swap3A_293 = arith.constant 0 : index
      %swap3A_294 = arith.constant 0 : index
      %swap3A_295 = vector.load %arg19[%swap3A_293, %swap3A_294] : memref<1024x64xf32, #tpu.memory_space<vmem>>, vector<1024x64xf32>
      tpu.vector_store %arg19[%swap3A_293, %swap3A_294], %broadcast_in_dim3A_292 {strides = array<i32>} : memref<1024x64xf32, #tpu.memory_space<vmem>>, vector<1024x64xf32>,
      %broadcast_in_dim3A_296 = arith.constant 0.000000e+00 : f32
      %broadcast_in_dim3A_297 = vector.broadcast %broadcast_in_dim3A_296 : f32 to vector<1024x64xf32>
      %swap3A_298 = arith.constant 0 : index
      %swap3A_299 = arith.constant 0 : index
      %swap3A_300 = vector.load %arg20[%swap3A_298, %swap3A_299] : memref<1024x64xf32, #tpu.memory_space<vmem>>, vector<1024x64xf32>
      tpu.vector_store %arg20[%swap3A_298, %swap3A_299], %broadcast_in_dim3A_297 {strides = array<i32>} : memref<1024x64xf32, #tpu.memory_space<vmem>>, vector<1024x64xf32>,
      %broadcast_in_dim3A_301 = arith.constant 0.000000e+00 : f32
      %broadcast_in_dim3A_302 = vector.broadcast %broadcast_in_dim3A_301 : f32 to vector<1024x3xf32>
      %swap3A_303 = arith.constant 0 : index
      %swap3A_304 = arith.constant 0 : index
      %swap3A_305 = vector.load %arg21[%swap3A_303, %swap3A_304] : memref<1024x3xf32, #tpu.memory_space<vmem>>, vector<1024x3xf32>
      tpu.vector_store %arg21[%swap3A_303, %swap3A_304], %broadcast_in_dim3A_302 {strides = array<i32>} : memref<1024x3xf32, #tpu.memory_space<vmem>>, vector<1024x3xf32>,
    } else {
    }
    %get3A = arith.constant 0 : index
    %get3A_2 = arith.constant 0 : index
    %get3A_3 = arith.constant 0 : index
    %get3A_4 = vector.load %arg1[%get3A, %get3A_2, %get3A_3] : memref<1x1024x64xf32, #tpu.memory_space<vmem>>, vector<1x1024x64xf32>
    %get3A_5 = vector.shape_cast %get3A_4 : vector<1x1024x64xf32> to vector<1024x64xf32>
    %get3A_6 = arith.constant 0 : index
    %get3A_7 = arith.constant 0 : index
    %get3A_8 = arith.constant 0 : index
    %get3A_9 = vector.load %arg2[%get3A_6, %get3A_7, %get3A_8] : memref<1x1024x64xf32, #tpu.memory_space<vmem>>, vector<1x1024x64xf32>
    %get3A_10 = vector.shape_cast %get3A_9 : vector<1x1024x64xf32> to vector<1024x64xf32>
    %get3A_11 = arith.constant 0 : index
    %get3A_12 = arith.constant 0 : index
    %get3A_13 = vector.load %arg5[%get3A_11, %get3A_12] : memref<64x256xf32, #tpu.memory_space<vmem>>, vector<64x256xf32>
    %bitcast_convert_type3A = tpu.bitcast %get3A_5 : vector<1024x64xf32> -> vector<1024x64xi32>
    %add3A = arith.constant 32767 : i32
    %add3A_14 = vector.broadcast %add3A : i32 to vector<1024x64xi32>
    %add3A_15 = arith.addi %bitcast_convert_type3A, %add3A_14 : vector<1024x64xi32>
    %shift_right_logical3A = arith.constant 16 : i32
    %shift_right_logical3A_16 = vector.broadcast %shift_right_logical3A : i32 to vector<1024x64xi32>
    %shift_right_logical3A_17 = arith.shrui %bitcast_convert_type3A, %shift_right_logical3A_16 : vector<1024x64xi32>
    %and3A = arith.constant 1 : i32
    %and3A_18 = vector.broadcast %and3A : i32 to vector<1024x64xi32>
    %and3A_19 = arith.andi %shift_right_logical3A_17, %and3A_18 : vector<1024x64xi32>
    %add3A_20 = arith.addi %add3A_15, %and3A_19 : vector<1024x64xi32>
    %and3A_21 = arith.constant -65536 : i32
    %and3A_22 = vector.broadcast %and3A_21 : i32 to vector<1024x64xi32>
    %and3A_23 = arith.andi %add3A_20, %and3A_22 : vector<1024x64xi32>
    %bitcast_convert_type3A_24 = tpu.bitcast %and3A_23 : vector<1024x64xi32> -> vector<1024x64xf32>
    %dot_general3A = arith.constant dense<0.000000e+00> : vector<1024x256xf32>
    %dot_general3A_25 = tpu.matmul %bitcast_convert_type3A_24, %get3A_13, %dot_general3A {dimension_numbers = #tpu.dot_dimension_numbers<[1], [0], [0], [1], [0, 0, 1, 1], [], []>, transpose_lhs_hint = false} : vector<1024x64xf32>, vector<64x256xf32>, vector<1024x256xf32> -> vector<1024x256xf32>
    %get3A_26 = arith.constant 0 : index
    %get3A_27 = arith.constant 0 : index
    %get3A_28 = vector.load %arg6[%get3A_26, %get3A_27] : memref<64x256xf32, #tpu.memory_space<vmem>>, vector<64x256xf32>
    %bitcast_convert_type3A_29 = tpu.bitcast %get3A_10 : vector<1024x64xf32> -> vector<1024x64xi32>
    %add3A_30 = arith.constant 32767 : i32
    %add3A_31 = vector.broadcast %add3A_30 : i32 to vector<1024x64xi32>
    %add3A_32 = arith.addi %bitcast_convert_type3A_29, %add3A_31 : vector<1024x64xi32>
    %shift_right_logical3A_33 = arith.constant 16 : i32
    %shift_right_logical3A_34 = vector.broadcast %shift_right_logical3A_33 : i32 to vector<1024x64xi32>
    %shift_right_logical3A_35 = arith.shrui %bitcast_convert_type3A_29, %shift_right_logical3A_34 : vector<1024x64xi32>
    %and3A_36 = arith.constant 1 : i32
    %and3A_37 = vector.broadcast %and3A_36 : i32 to vector<1024x64xi32>
    %and3A_38 = arith.andi %shift_right_logical3A_35, %and3A_37 : vector<1024x64xi32>
    %add3A_39 = arith.addi %add3A_32, %and3A_38 : vector<1024x64xi32>
    %and3A_40 = arith.constant -65536 : i32
    %and3A_41 = vector.broadcast %and3A_40 : i32 to vector<1024x64xi32>
    %and3A_42 = arith.andi %add3A_39, %and3A_41 : vector<1024x64xi32>
    %bitcast_convert_type3A_43 = tpu.bitcast %and3A_42 : vector<1024x64xi32> -> vector<1024x64xf32>
    %dot_general3A_44 = arith.constant dense<0.000000e+00> : vector<1024x256xf32>
    %dot_general3A_45 = tpu.matmul %bitcast_convert_type3A_43, %get3A_28, %dot_general3A_44 {dimension_numbers = #tpu.dot_dimension_numbers<[1], [0], [0], [1], [0, 0, 1, 1], [], []>, transpose_lhs_hint = false} : vector<1024x64xf32>, vector<64x256xf32>, vector<1024x256xf32> -> vector<1024x256xf32>
    %add3A_46 = arith.addf %dot_general3A_25, %dot_general3A_45 : vector<1024x256xf32>
    %get3A_47 = arith.constant 0 : index
    %get3A_48 = arith.constant 0 : index
    %get3A_49 = vector.load %arg17[%get3A_47, %get3A_48] : memref<1024x64xf32, #tpu.memory_space<vmem>>, vector<1024x64xf32>
    %get3A_50 = arith.constant 0 : index
    %get3A_51 = arith.constant 0 : index
    %get3A_52 = vector.load %arg7[%get3A_50, %get3A_51] : memref<64x256xf32, #tpu.memory_space<vmem>>, vector<64x256xf32>
    %bitcast_convert_type3A_53 = tpu.bitcast %get3A_49 : vector<1024x64xf32> -> vector<1024x64xi32>
    %add3A_54 = arith.constant 32767 : i32
    %add3A_55 = vector.broadcast %add3A_54 : i32 to vector<1024x64xi32>
    %add3A_56 = arith.addi %bitcast_convert_type3A_53, %add3A_55 : vector<1024x64xi32>
    %shift_right_logical3A_57 = arith.constant 16 : i32
    %shift_right_logical3A_58 = vector.broadcast %shift_right_logical3A_57 : i32 to vector<1024x64xi32>
    %shift_right_logical3A_59 = arith.shrui %bitcast_convert_type3A_53, %shift_right_logical3A_58 : vector<1024x64xi32>
    %and3A_60 = arith.constant 1 : i32
    %and3A_61 = vector.broadcast %and3A_60 : i32 to vector<1024x64xi32>
    %and3A_62 = arith.andi %shift_right_logical3A_59, %and3A_61 : vector<1024x64xi32>
    %add3A_63 = arith.addi %add3A_56, %and3A_62 : vector<1024x64xi32>
    %and3A_64 = arith.constant -65536 : i32
    %and3A_65 = vector.broadcast %and3A_64 : i32 to vector<1024x64xi32>
    %and3A_66 = arith.andi %add3A_63, %and3A_65 : vector<1024x64xi32>
    %bitcast_convert_type3A_67 = tpu.bitcast %and3A_66 : vector<1024x64xi32> -> vector<1024x64xf32>
    %dot_general3A_68 = arith.constant dense<0.000000e+00> : vector<1024x256xf32>
    %dot_general3A_69 = tpu.matmul %bitcast_convert_type3A_67, %get3A_52, %dot_general3A_68 {dimension_numbers = #tpu.dot_dimension_numbers<[1], [0], [0], [1], [0, 0, 1, 1], [], []>, transpose_lhs_hint = false} : vector<1024x64xf32>, vector<64x256xf32>, vector<1024x256xf32> -> vector<1024x256xf32>
    %add3A_70 = arith.addf %add3A_46, %dot_general3A_69 : vector<1024x256xf32>
    %get3A_71 = arith.constant 0 : index
    %get3A_72 = arith.constant 0 : index
    %get3A_73 = vector.load %arg8[%get3A_71, %get3A_72] : memref<1x256xf32, #tpu.memory_space<vmem>>, vector<1x256xf32>
    %add3A_74 = vector.broadcast %get3A_73 : vector<1x256xf32> to vector<1024x256xf32>
    %add3A_75 = arith.addf %add3A_70, %add3A_74 : vector<1024x256xf32>
    %slice3A = vector.extract_strided_slice %add3A_75 {offsets = [0, 0], sizes = [1024, 64], strides = [1, 1]} : vector<1024x256xf32> to vector<1024x64xf32>
    %logistic3A = arith.negf %slice3A : vector<1024x64xf32>
    %logistic3A_76 = math.exp %logistic3A : vector<1024x64xf32>
    %logistic3A_77 = arith.constant 1.000000e+00 : f32
    %logistic3A_78 = vector.broadcast %logistic3A_77 : f32 to vector<1024x64xf32>
    %logistic3A_79 = arith.addf %logistic3A_78, %logistic3A_76 : vector<1024x64xf32>
    %logistic3A_80 = arith.divf %logistic3A_78, %logistic3A_79 : vector<1024x64xf32>
    %slice3A_81 = vector.extract_strided_slice %add3A_75 {offsets = [0, 64], sizes = [1024, 64], strides = [1, 1]} : vector<1024x256xf32> to vector<1024x64xf32>
    %logistic3A_82 = arith.negf %slice3A_81 : vector<1024x64xf32>
    %logistic3A_83 = math.exp %logistic3A_82 : vector<1024x64xf32>
    %logistic3A_84 = arith.constant 1.000000e+00 : f32
    %logistic3A_85 = vector.broadcast %logistic3A_84 : f32 to vector<1024x64xf32>
    %logistic3A_86 = arith.addf %logistic3A_85, %logistic3A_83 : vector<1024x64xf32>
    %logistic3A_87 = arith.divf %logistic3A_85, %logistic3A_86 : vector<1024x64xf32>
    %slice3A_88 = vector.extract_strided_slice %add3A_75 {offsets = [0, 128], sizes = [1024, 64], strides = [1, 1]} : vector<1024x256xf32> to vector<1024x64xf32>
    %tanh3A = math.tanh %slice3A_88 : vector<1024x64xf32>
    %slice3A_89 = vector.extract_strided_slice %add3A_75 {offsets = [0, 192], sizes = [1024, 64], strides = [1, 1]} : vector<1024x256xf32> to vector<1024x64xf32>
    %logistic3A_90 = arith.negf %slice3A_89 : vector<1024x64xf32>
    %logistic3A_91 = math.exp %logistic3A_90 : vector<1024x64xf32>
    %logistic3A_92 = arith.constant 1.000000e+00 : f32
    %logistic3A_93 = vector.broadcast %logistic3A_92 : f32 to vector<1024x64xf32>
    %logistic3A_94 = arith.addf %logistic3A_93, %logistic3A_91 : vector<1024x64xf32>
    %logistic3A_95 = arith.divf %logistic3A_93, %logistic3A_94 : vector<1024x64xf32>
    %get3A_96 = arith.constant 0 : index
    %get3A_97 = arith.constant 0 : index
    %get3A_98 = vector.load %arg18[%get3A_96, %get3A_97] : memref<1024x64xf32, #tpu.memory_space<vmem>>, vector<1024x64xf32>
    %mul3A = arith.mulf %logistic3A_87, %get3A_98 : vector<1024x64xf32>
    %mul3A_99 = arith.mulf %logistic3A_80, %tanh3A : vector<1024x64xf32>
    %add3A_100 = arith.addf %mul3A, %mul3A_99 : vector<1024x64xf32>
    %tanh3A_101 = math.tanh %add3A_100 : vector<1024x64xf32>
    %mul3A_102 = arith.mulf %logistic3A_95, %tanh3A_101 : vector<1024x64xf32>
    %swap3A = arith.constant 0 : index
    %swap3A_103 = arith.constant 0 : index
    %swap3A_104 = vector.load %arg18[%swap3A, %swap3A_103] : memref<1024x64xf32, #tpu.memory_space<vmem>>, vector<1024x64xf32>
    tpu.vector_store %arg18[%swap3A, %swap3A_103], %add3A_100 {strides = array<i32>} : memref<1024x64xf32, #tpu.memory_space<vmem>>, vector<1024x64xf32>,
    %swap3A_105 = arith.constant 0 : index
    %swap3A_106 = arith.constant 0 : index
    %swap3A_107 = vector.load %arg17[%swap3A_105, %swap3A_106] : memref<1024x64xf32, #tpu.memory_space<vmem>>, vector<1024x64xf32>
    tpu.vector_store %arg17[%swap3A_105, %swap3A_106], %mul3A_102 {strides = array<i32>} : memref<1024x64xf32, #tpu.memory_space<vmem>>, vector<1024x64xf32>,
    %get3A_108 = arith.constant 0 : index
    %get3A_109 = arith.constant 0 : index
    %get3A_110 = arith.constant 0 : index
    %get3A_111 = vector.load %arg3[%get3A_108, %get3A_109, %get3A_110] : memref<1x1024x64xf32, #tpu.memory_space<vmem>>, vector<1x1024x64xf32>
    %get3A_112 = vector.shape_cast %get3A_111 : vector<1x1024x64xf32> to vector<1024x64xf32>
    %get3A_113 = arith.constant 0 : index
    %get3A_114 = arith.constant 0 : index
    %get3A_115 = arith.constant 0 : index
    %get3A_116 = vector.load %arg4[%get3A_113, %get3A_114, %get3A_115] : memref<1x1024x64xf32, #tpu.memory_space<vmem>>, vector<1x1024x64xf32>
    %get3A_117 = vector.shape_cast %get3A_116 : vector<1x1024x64xf32> to vector<1024x64xf32>
    %get3A_118 = arith.constant 0 : index
    %get3A_119 = arith.constant 0 : index
    %get3A_120 = vector.load %arg9[%get3A_118, %get3A_119] : memref<64x256xf32, #tpu.memory_space<vmem>>, vector<64x256xf32>
    %bitcast_convert_type3A_121 = tpu.bitcast %get3A_112 : vector<1024x64xf32> -> vector<1024x64xi32>
    %add3A_122 = arith.constant 32767 : i32
    %add3A_123 = vector.broadcast %add3A_122 : i32 to vector<1024x64xi32>
    %add3A_124 = arith.addi %bitcast_convert_type3A_121, %add3A_123 : vector<1024x64xi32>
    %shift_right_logical3A_125 = arith.constant 16 : i32
    %shift_right_logical3A_126 = vector.broadcast %shift_right_logical3A_125 : i32 to vector<1024x64xi32>
    %shift_right_logical3A_127 = arith.shrui %bitcast_convert_type3A_121, %shift_right_logical3A_126 : vector<1024x64xi32>
    %and3A_128 = arith.constant 1 : i32
    %and3A_129 = vector.broadcast %and3A_128 : i32 to vector<1024x64xi32>
    %and3A_130 = arith.andi %shift_right_logical3A_127, %and3A_129 : vector<1024x64xi32>
    %add3A_131 = arith.addi %add3A_124, %and3A_130 : vector<1024x64xi32>
    %and3A_132 = arith.constant -65536 : i32
    %and3A_133 = vector.broadcast %and3A_132 : i32 to vector<1024x64xi32>
    %and3A_134 = arith.andi %add3A_131, %and3A_133 : vector<1024x64xi32>
    %bitcast_convert_type3A_135 = tpu.bitcast %and3A_134 : vector<1024x64xi32> -> vector<1024x64xf32>
    %dot_general3A_136 = arith.constant dense<0.000000e+00> : vector<1024x256xf32>
    %dot_general3A_137 = tpu.matmul %bitcast_convert_type3A_135, %get3A_120, %dot_general3A_136 {dimension_numbers = #tpu.dot_dimension_numbers<[1], [0], [0], [1], [0, 0, 1, 1], [], []>, transpose_lhs_hint = false} : vector<1024x64xf32>, vector<64x256xf32>, vector<1024x256xf32> -> vector<1024x256xf32>
    %get3A_138 = arith.constant 0 : index
    %get3A_139 = arith.constant 0 : index
    %get3A_140 = vector.load %arg10[%get3A_138, %get3A_139] : memref<64x256xf32, #tpu.memory_space<vmem>>, vector<64x256xf32>
    %bitcast_convert_type3A_141 = tpu.bitcast %get3A_117 : vector<1024x64xf32> -> vector<1024x64xi32>
    %add3A_142 = arith.constant 32767 : i32
    %add3A_143 = vector.broadcast %add3A_142 : i32 to vector<1024x64xi32>
    %add3A_144 = arith.addi %bitcast_convert_type3A_141, %add3A_143 : vector<1024x64xi32>
    %shift_right_logical3A_145 = arith.constant 16 : i32
    %shift_right_logical3A_146 = vector.broadcast %shift_right_logical3A_145 : i32 to vector<1024x64xi32>
    %shift_right_logical3A_147 = arith.shrui %bitcast_convert_type3A_141, %shift_right_logical3A_146 : vector<1024x64xi32>
    %and3A_148 = arith.constant 1 : i32
    %and3A_149 = vector.broadcast %and3A_148 : i32 to vector<1024x64xi32>
    %and3A_150 = arith.andi %shift_right_logical3A_147, %and3A_149 : vector<1024x64xi32>
    %add3A_151 = arith.addi %add3A_144, %and3A_150 : vector<1024x64xi32>
    %and3A_152 = arith.constant -65536 : i32
    %and3A_153 = vector.broadcast %and3A_152 : i32 to vector<1024x64xi32>
    %and3A_154 = arith.andi %add3A_151, %and3A_153 : vector<1024x64xi32>
    %bitcast_convert_type3A_155 = tpu.bitcast %and3A_154 : vector<1024x64xi32> -> vector<1024x64xf32>
    %dot_general3A_156 = arith.constant dense<0.000000e+00> : vector<1024x256xf32>
    %dot_general3A_157 = tpu.matmul %bitcast_convert_type3A_155, %get3A_140, %dot_general3A_156 {dimension_numbers = #tpu.dot_dimension_numbers<[1], [0], [0], [1], [0, 0, 1, 1], [], []>, transpose_lhs_hint = false} : vector<1024x64xf32>, vector<64x256xf32>, vector<1024x256xf32> -> vector<1024x256xf32>
    %add3A_158 = arith.addf %dot_general3A_137, %dot_general3A_157 : vector<1024x256xf32>
    %get3A_159 = arith.constant 0 : index
    %get3A_160 = arith.constant 0 : index
    %get3A_161 = vector.load %arg19[%get3A_159, %get3A_160] : memref<1024x64xf32, #tpu.memory_space<vmem>>, vector<1024x64xf32>
    %get3A_162 = arith.constant 0 : index
    %get3A_163 = arith.constant 0 : index
    %get3A_164 = vector.load %arg11[%get3A_162, %get3A_163] : memref<64x256xf32, #tpu.memory_space<vmem>>, vector<64x256xf32>
    %bitcast_convert_type3A_165 = tpu.bitcast %get3A_161 : vector<1024x64xf32> -> vector<1024x64xi32>
    %add3A_166 = arith.constant 32767 : i32
    %add3A_167 = vector.broadcast %add3A_166 : i32 to vector<1024x64xi32>
    %add3A_168 = arith.addi %bitcast_convert_type3A_165, %add3A_167 : vector<1024x64xi32>
    %shift_right_logical3A_169 = arith.constant 16 : i32
    %shift_right_logical3A_170 = vector.broadcast %shift_right_logical3A_169 : i32 to vector<1024x64xi32>
    %shift_right_logical3A_171 = arith.shrui %bitcast_convert_type3A_165, %shift_right_logical3A_170 : vector<1024x64xi32>
    %and3A_172 = arith.constant 1 : i32
    %and3A_173 = vector.broadcast %and3A_172 : i32 to vector<1024x64xi32>
    %and3A_174 = arith.andi %shift_right_logical3A_171, %and3A_173 : vector<1024x64xi32>
    %add3A_175 = arith.addi %add3A_168, %and3A_174 : vector<1024x64xi32>
    %and3A_176 = arith.constant -65536 : i32
    %and3A_177 = vector.broadcast %and3A_176 : i32 to vector<1024x64xi32>
    %and3A_178 = arith.andi %add3A_175, %and3A_177 : vector<1024x64xi32>
    %bitcast_convert_type3A_179 = tpu.bitcast %and3A_178 : vector<1024x64xi32> -> vector<1024x64xf32>
    %dot_general3A_180 = arith.constant dense<0.000000e+00> : vector<1024x256xf32>
    %dot_general3A_181 = tpu.matmul %bitcast_convert_type3A_179, %get3A_164, %dot_general3A_180 {dimension_numbers = #tpu.dot_dimension_numbers<[1], [0], [0], [1], [0, 0, 1, 1], [], []>, transpose_lhs_hint = false} : vector<1024x64xf32>, vector<64x256xf32>, vector<1024x256xf32> -> vector<1024x256xf32>
    %add3A_182 = arith.addf %add3A_158, %dot_general3A_181 : vector<1024x256xf32>
    %get3A_183 = arith.constant 0 : index
    %get3A_184 = arith.constant 0 : index
    %get3A_185 = vector.load %arg12[%get3A_183, %get3A_184] : memref<1x256xf32, #tpu.memory_space<vmem>>, vector<1x256xf32>
    %add3A_186 = vector.broadcast %get3A_185 : vector<1x256xf32> to vector<1024x256xf32>
    %add3A_187 = arith.addf %add3A_182, %add3A_186 : vector<1024x256xf32>
    %slice3A_188 = vector.extract_strided_slice %add3A_187 {offsets = [0, 0], sizes = [1024, 64], strides = [1, 1]} : vector<1024x256xf32> to vector<1024x64xf32>
    %logistic3A_189 = arith.negf %slice3A_188 : vector<1024x64xf32>
    %logistic3A_190 = math.exp %logistic3A_189 : vector<1024x64xf32>
    %logistic3A_191 = arith.constant 1.000000e+00 : f32
    %logistic3A_192 = vector.broadcast %logistic3A_191 : f32 to vector<1024x64xf32>
    %logistic3A_193 = arith.addf %logistic3A_192, %logistic3A_190 : vector<1024x64xf32>
    %logistic3A_194 = arith.divf %logistic3A_192, %logistic3A_193 : vector<1024x64xf32>
    %slice3A_195 = vector.extract_strided_slice %add3A_187 {offsets = [0, 64], sizes = [1024, 64], strides = [1, 1]} : vector<1024x256xf32> to vector<1024x64xf32>
    %logistic3A_196 = arith.negf %slice3A_195 : vector<1024x64xf32>
    %logistic3A_197 = math.exp %logistic3A_196 : vector<1024x64xf32>
    %logistic3A_198 = arith.constant 1.000000e+00 : f32
    %logistic3A_199 = vector.broadcast %logistic3A_198 : f32 to vector<1024x64xf32>
    %logistic3A_200 = arith.addf %logistic3A_199, %logistic3A_197 : vector<1024x64xf32>
    %logistic3A_201 = arith.divf %logistic3A_199, %logistic3A_200 : vector<1024x64xf32>
    %slice3A_202 = vector.extract_strided_slice %add3A_187 {offsets = [0, 128], sizes = [1024, 64], strides = [1, 1]} : vector<1024x256xf32> to vector<1024x64xf32>
    %tanh3A_203 = math.tanh %slice3A_202 : vector<1024x64xf32>
    %slice3A_204 = vector.extract_strided_slice %add3A_187 {offsets = [0, 192], sizes = [1024, 64], strides = [1, 1]} : vector<1024x256xf32> to vector<1024x64xf32>
    %logistic3A_205 = arith.negf %slice3A_204 : vector<1024x64xf32>
    %logistic3A_206 = math.exp %logistic3A_205 : vector<1024x64xf32>
    %logistic3A_207 = arith.constant 1.000000e+00 : f32
    %logistic3A_208 = vector.broadcast %logistic3A_207 : f32 to vector<1024x64xf32>
    %logistic3A_209 = arith.addf %logistic3A_208, %logistic3A_206 : vector<1024x64xf32>
    %logistic3A_210 = arith.divf %logistic3A_208, %logistic3A_209 : vector<1024x64xf32>
    %get3A_211 = arith.constant 0 : index
    %get3A_212 = arith.constant 0 : index
    %get3A_213 = vector.load %arg20[%get3A_211, %get3A_212] : memref<1024x64xf32, #tpu.memory_space<vmem>>, vector<1024x64xf32>
    %mul3A_214 = arith.mulf %logistic3A_201, %get3A_213 : vector<1024x64xf32>
    %mul3A_215 = arith.mulf %logistic3A_194, %tanh3A_203 : vector<1024x64xf32>
    %add3A_216 = arith.addf %mul3A_214, %mul3A_215 : vector<1024x64xf32>
    %tanh3A_217 = math.tanh %add3A_216 : vector<1024x64xf32>
    %mul3A_218 = arith.mulf %logistic3A_210, %tanh3A_217 : vector<1024x64xf32>
    %swap3A_219 = arith.constant 0 : index
    %swap3A_220 = arith.constant 0 : index
    %swap3A_221 = vector.load %arg20[%swap3A_219, %swap3A_220] : memref<1024x64xf32, #tpu.memory_space<vmem>>, vector<1024x64xf32>
    tpu.vector_store %arg20[%swap3A_219, %swap3A_220], %add3A_216 {strides = array<i32>} : memref<1024x64xf32, #tpu.memory_space<vmem>>, vector<1024x64xf32>,
    %swap3A_222 = arith.constant 0 : index
    %swap3A_223 = arith.constant 0 : index
    %swap3A_224 = vector.load %arg19[%swap3A_222, %swap3A_223] : memref<1024x64xf32, #tpu.memory_space<vmem>>, vector<1024x64xf32>
    tpu.vector_store %arg19[%swap3A_222, %swap3A_223], %mul3A_218 {strides = array<i32>} : memref<1024x64xf32, #tpu.memory_space<vmem>>, vector<1024x64xf32>,
    %get3A_225 = arith.constant 0 : index
    %get3A_226 = arith.constant 0 : index
    %get3A_227 = vector.load %arg21[%get3A_225, %get3A_226] : memref<1024x3xf32, #tpu.memory_space<vmem>>, vector<1024x3xf32>
    %get3A_228 = arith.constant 0 : index
    %get3A_229 = arith.constant 0 : index
    %get3A_230 = arith.constant 0 : index
    %get3A_231 = vector.load %arg13[%get3A_228, %get3A_229, %get3A_230] : memref<1x64x3xf32, #tpu.memory_space<vmem>>, vector<1x64x3xf32>
    %get3A_232 = vector.shape_cast %get3A_231 : vector<1x64x3xf32> to vector<64x3xf32>
    %bitcast_convert_type3A_233 = tpu.bitcast %mul3A_102 : vector<1024x64xf32> -> vector<1024x64xi32>
    %add3A_234 = arith.constant 32767 : i32
    %add3A_235 = vector.broadcast %add3A_234 : i32 to vector<1024x64xi32>
    %add3A_236 = arith.addi %bitcast_convert_type3A_233, %add3A_235 : vector<1024x64xi32>
    %shift_right_logical3A_237 = arith.constant 16 : i32
    %shift_right_logical3A_238 = vector.broadcast %shift_right_logical3A_237 : i32 to vector<1024x64xi32>
    %shift_right_logical3A_239 = arith.shrui %bitcast_convert_type3A_233, %shift_right_logical3A_238 : vector<1024x64xi32>
    %and3A_240 = arith.constant 1 : i32
    %and3A_241 = vector.broadcast %and3A_240 : i32 to vector<1024x64xi32>
    %and3A_242 = arith.andi %shift_right_logical3A_239, %and3A_241 : vector<1024x64xi32>
    %add3A_243 = arith.addi %add3A_236, %and3A_242 : vector<1024x64xi32>
    %and3A_244 = arith.constant -65536 : i32
    %and3A_245 = vector.broadcast %and3A_244 : i32 to vector<1024x64xi32>
    %and3A_246 = arith.andi %add3A_243, %and3A_245 : vector<1024x64xi32>
    %bitcast_convert_type3A_247 = tpu.bitcast %and3A_246 : vector<1024x64xi32> -> vector<1024x64xf32>
    %dot_general3A_248 = arith.constant dense<0.000000e+00> : vector<1024x3xf32>
    %dot_general3A_249 = tpu.matmul %bitcast_convert_type3A_247, %get3A_232, %dot_general3A_248 {dimension_numbers = #tpu.dot_dimension_numbers<[1], [0], [0], [1], [0, 0, 1, 1], [], []>, transpose_lhs_hint = false} : vector<1024x64xf32>, vector<64x3xf32>, vector<1024x3xf32> -> vector<1024x3xf32>
    %add3A_250 = arith.addf %get3A_227, %dot_general3A_249 : vector<1024x3xf32>
    %get3A_251 = arith.constant 0 : index
    %get3A_252 = arith.constant 0 : index
    %get3A_253 = arith.constant 0 : index
    %get3A_254 = vector.load %arg14[%get3A_251, %get3A_252, %get3A_253] : memref<1x64x3xf32, #tpu.memory_space<vmem>>, vector<1x64x3xf32>
    %get3A_255 = vector.shape_cast %get3A_254 : vector<1x64x3xf32> to vector<64x3xf32>
    %bitcast_convert_type3A_256 = tpu.bitcast %mul3A_218 : vector<1024x64xf32> -> vector<1024x64xi32>
    %add3A_257 = arith.constant 32767 : i32
    %add3A_258 = vector.broadcast %add3A_257 : i32 to vector<1024x64xi32>
    %add3A_259 = arith.addi %bitcast_convert_type3A_256, %add3A_258 : vector<1024x64xi32>
    %shift_right_logical3A_260 = arith.constant 16 : i32
    %shift_right_logical3A_261 = vector.broadcast %shift_right_logical3A_260 : i32 to vector<1024x64xi32>
    %shift_right_logical3A_262 = arith.shrui %bitcast_convert_type3A_256, %shift_right_logical3A_261 : vector<1024x64xi32>
    %and3A_263 = arith.constant 1 : i32
    %and3A_264 = vector.broadcast %and3A_263 : i32 to vector<1024x64xi32>
    %and3A_265 = arith.andi %shift_right_logical3A_262, %and3A_264 : vector<1024x64xi32>
    %add3A_266 = arith.addi %add3A_259, %and3A_265 : vector<1024x64xi32>
    %and3A_267 = arith.constant -65536 : i32
    %and3A_268 = vector.broadcast %and3A_267 : i32 to vector<1024x64xi32>
    %and3A_269 = arith.andi %add3A_266, %and3A_268 : vector<1024x64xi32>
    %bitcast_convert_type3A_270 = tpu.bitcast %and3A_269 : vector<1024x64xi32> -> vector<1024x64xf32>
    %dot_general3A_271 = arith.constant dense<0.000000e+00> : vector<1024x3xf32>
    %dot_general3A_272 = tpu.matmul %bitcast_convert_type3A_270, %get3A_255, %dot_general3A_271 {dimension_numbers = #tpu.dot_dimension_numbers<[1], [0], [0], [1], [0, 0, 1, 1], [], []>, transpose_lhs_hint = false} : vector<1024x64xf32>, vector<64x3xf32>, vector<1024x3xf32> -> vector<1024x3xf32>
    %add3A_273 = arith.addf %add3A_250, %dot_general3A_272 : vector<1024x3xf32>
    %swap3A_274 = arith.constant 0 : index
    %swap3A_275 = arith.constant 0 : index
    %swap3A_276 = vector.load %arg21[%swap3A_274, %swap3A_275] : memref<1024x3xf32, #tpu.memory_space<vmem>>, vector<1024x3xf32>
    tpu.vector_store %arg21[%swap3A_274, %swap3A_275], %add3A_273 {strides = array<i32>} : memref<1024x3xf32, #tpu.memory_space<vmem>>, vector<1024x3xf32>,
    %eq3A_277 = arith.constant 199 : i32
    %eq3A_278 = arith.cmpi eq, %arg0, %eq3A_277 : i32
    %convert_element_type3A_279 = arith.extui %eq3A_278 : i1 to i32
    %cond3A_280 = arith.constant 0 : i32
    %cond3A_281 = arith.cmpi ne, %convert_element_type3A_279, %cond3A_280 : i32
    scf.if %cond3A_281 {
      %get3A_282 = arith.constant 0 : index
      %get3A_283 = arith.constant 0 : index
      %get3A_284 = vector.load %arg21[%get3A_282, %get3A_283] : memref<1024x3xf32, #tpu.memory_space<vmem>>, vector<1024x3xf32>
      %get3A_285 = arith.constant 0 : index
      %get3A_286 = arith.constant 0 : index
      %get3A_287 = vector.load %arg15[%get3A_285, %get3A_286] : memref<1x3xf32, #tpu.memory_space<vmem>>, vector<1x3xf32>
      %add3A_288 = vector.broadcast %get3A_287 : vector<1x3xf32> to vector<1024x3xf32>
      %add3A_289 = arith.addf %get3A_284, %add3A_288 : vector<1024x3xf32>
      %reduce_max3A = arith.constant dense<0xFF800000> : vector<1024xf32>
      %reduce_max3A_290 = vector.multi_reduction <maximumf>, %add3A_289, %reduce_max3A [1] : vector<1024x3xf32> to vector<1024xf32>
      %broadcast_in_dim3A = vector.shape_cast %reduce_max3A_290 : vector<1024xf32> to vector<1024x1xf32>
      %sub3A = vector.broadcast %broadcast_in_dim3A : vector<1024x1xf32> to vector<1024x3xf32>
      %sub3A_291 = arith.subf %add3A_289, %sub3A : vector<1024x3xf32>
      %exp3A = math.exp %sub3A_291 : vector<1024x3xf32>
      %reduce_sum3A = arith.constant dense<0.000000e+00> : vector<1024xf32>
      %reduce_sum3A_292 = vector.multi_reduction <add>, %exp3A, %reduce_sum3A [1] : vector<1024x3xf32> to vector<1024xf32>
      %broadcast_in_dim3A_293 = vector.shape_cast %reduce_sum3A_292 : vector<1024xf32> to vector<1024x1xf32>
      %div3A = vector.broadcast %broadcast_in_dim3A_293 : vector<1024x1xf32> to vector<1024x3xf32>
      %div3A_294 = arith.divf %exp3A, %div3A : vector<1024x3xf32>
      %swap3A_295 = arith.constant 0 : index
      %swap3A_296 = arith.constant 0 : index
      %swap3A_297 = vector.load %arg16[%swap3A_295, %swap3A_296] : memref<1024x3xf32, #tpu.memory_space<vmem>>, vector<1024x3xf32>
      tpu.vector_store %arg16[%swap3A_295, %swap3A_296], %div3A_294 {strides = array<i32>} : memref<1024x3xf32, #tpu.memory_space<vmem>>, vector<1024x3xf32>,
    } else {
    }
    return
  }
  func.func @transform_0(%arg0: i32) -> (i32, i32, i32) {
    %c0_i32 = arith.constant 0 : i32
    %c0_i32_0 = arith.constant 0 : i32
    %c0_i32_1 = arith.constant 0 : i32
    return %arg0, %c0_i32, %c0_i32_0 : i32, i32, i32
  }
  func.func @transform_1(%arg0: i32) -> (i32, i32, i32) {
    %c0_i32 = arith.constant 0 : i32
    %c0_i32_0 = arith.constant 0 : i32
    %c0_i32_1 = arith.constant 0 : i32
    return %arg0, %c0_i32, %c0_i32_0 : i32, i32, i32
  }
  func.func @transform_2(%arg0: i32) -> (i32, i32, i32) {
    %sub3A = arith.constant 199 : i32
    %sub3A_0 = arith.subi %sub3A, %arg0 : i32
    %c0_i32 = arith.constant 0 : i32
    %c0_i32_1 = arith.constant 0 : i32
    %c0_i32_2 = arith.constant 0 : i32
    return %sub3A_0, %c0_i32, %c0_i32_1 : i32, i32, i32
  }
  func.func @transform_3(%arg0: i32) -> (i32, i32, i32) {
    %sub3A = arith.constant 199 : i32
    %sub3A_0 = arith.subi %sub3A, %arg0 : i32
    %c0_i32 = arith.constant 0 : i32
    %c0_i32_1 = arith.constant 0 : i32
    %c0_i32_2 = arith.constant 0 : i32
    return %sub3A_0, %c0_i32, %c0_i32_1 : i32, i32, i32
  }
  func.func @transform_4(%arg0: i32) -> (i32, i32) {
    %c0_i32 = arith.constant 0 : i32
    %c0_i32_0 = arith.constant 0 : i32
    %c0_i32_1 = arith.constant 0 : i32
    return %c0_i32, %c0_i32_0 : i32, i32
  }
  func.func @transform_5(%arg0: i32) -> (i32, i32) {
    %c0_i32 = arith.constant 0 : i32
    %c0_i32_0 = arith.constant 0 : i32
    %c0_i32_1 = arith.constant 0 : i32
    return %c0_i32, %c0_i32_0 : i32, i32
  }
  func.func @transform_6(%arg0: i32) -> (i32, i32) {
    %c0_i32 = arith.constant 0 : i32
    %c0_i32_0 = arith.constant 0 : i32
    %c0_i32_1 = arith.constant 0 : i32
    return %c0_i32, %c0_i32_0 : i32, i32
  }
  func.func @transform_7(%arg0: i32) -> (i32, i32) {
    %c0_i32 = arith.constant 0 : i32
    %c0_i32_0 = arith.constant 0 : i32
    %c0_i32_1 = arith.constant 0 : i32
    return %c0_i32, %c0_i32_0 : i32, i32
  }
  func.func @transform_8(%arg0: i32) -> (i32, i32) {
    %c0_i32 = arith.constant 0 : i32
    %c0_i32_0 = arith.constant 0 : i32
    %c0_i32_1 = arith.constant 0 : i32
    return %c0_i32, %c0_i32_0 : i32, i32
  }
  func.func @transform_9(%arg0: i32) -> (i32, i32) {
    %c0_i32 = arith.constant 0 : i32
    %c0_i32_0 = arith.constant 0 : i32
    %c0_i32_1 = arith.constant 0 : i32
    return %c0_i32, %c0_i32_0 : i32, i32
  }
  func.func @transform_10(%arg0: i32) -> (i32, i32) {
    %c0_i32 = arith.constant 0 : i32
    %c0_i32_0 = arith.constant 0 : i32
    %c0_i32_1 = arith.constant 0 : i32
    return %c0_i32, %c0_i32_0 : i32, i32
  }
  func.func @transform_11(%arg0: i32) -> (i32, i32) {
    %c0_i32 = arith.constant 0 : i32
    %c0_i32_0 = arith.constant 0 : i32
    %c0_i32_1 = arith.constant 0 : i32
    return %c0_i32, %c0_i32_0 : i32, i32
  }
  func.func @transform_12(%arg0: i32) -> (i32, i32, i32) {
    %c0_i32 = arith.constant 0 : i32
    %c0_i32_0 = arith.constant 0 : i32
    %c0_i32_1 = arith.constant 0 : i32
    return %arg0, %c0_i32, %c0_i32_0 : i32, i32, i32
  }
  func.func @transform_13(%arg0: i32) -> (i32, i32, i32) {
    %sub3A = arith.constant 199 : i32
    %sub3A_0 = arith.subi %sub3A, %arg0 : i32
    %c0_i32 = arith.constant 0 : i32
    %c0_i32_1 = arith.constant 0 : i32
    %c0_i32_2 = arith.constant 0 : i32
    return %sub3A_0, %c0_i32, %c0_i32_1 : i32, i32, i32
  }
  func.func @transform_14(%arg0: i32) -> (i32, i32) {
    %c0_i32 = arith.constant 0 : i32
    %c0_i32_0 = arith.constant 0 : i32
    %c0_i32_1 = arith.constant 0 : i32
    return %c0_i32, %c0_i32_0 : i32, i32
  }
  func.func @transform_15(%arg0: i32) -> (i32, i32) {
    %c0_i32 = arith.constant 0 : i32
    %c0_i32_0 = arith.constant 0 : i32
    %c0_i32_1 = arith.constant 0 : i32
    return %c0_i32, %c0_i32_0 : i32, i32
  }
}

</mosaic_0001>

<sc_bundles>
// kernel: kernel.5.cloned.1.call-start
scs
__scs_entry_jumppad:
0x0: {  	(pc) =	sbr.rel $0x88, $3  }
0x1: {  	(tag) =	ssettag $0x0;
	lr =	simm.s32 $0x1  }
0x2: {  	[smem:$0x3F91] =	sst lr;
	_ =	strace $0xD0000000  }
0x3: {  	_ = 	snop  }
0x4: {  	_ = 	snop  }
0x5: {  	_ = 	snop  }
0x6: {  	_ = 	snop  }
0x7: {  	_ = 	snop  }
__scs_overlays_trampoline_lowered:
0x8: {  	[smem:$0x3FA0] =	sst s0  }
0x9: {  	[smem:$0x3FA1] =	sst s1  }
0xa: {  	[smem:$0x3FA2] =	sst s2  }
0xb: {  	[smem:$0x3FA3] =	sst s3  }
0xc: {  	[smem:$0x3FA4] =	sst s4  }
0xd: {  	[smem:$0x3FA5] =	sst s5  }
0xe: {  	[smem:$0x3FA6] =	sst s6  }
0xf: {  	[smem:$0x3FA7] =	sst s7  }
0x10: {  	[smem:$0x3FA8] =	sst s8  }
0x11: {  	[smem:$0x3FA9] =	sst s9;
	s0 =	simm.s32 @!p0 $0x0  }
0x12: {  	s1 =	sld [smem:$0x3F8F];
	s0 =	simm.s32 @p0 $0x1  }
0x13: {  	[smem:$0x3FAA] =	sst s0;
	s0 =	simm.s32 @!p1 $0x0  }
0x14: {  	s2 =	sld [smem:$0x3F8E];
	s0 =	simm.s32 @p1 $0x1  }
0x15: {  	[smem:$0x3FAB] =	sst s0;
	s0 =	simm.s32 @!p2 $0x0  }
0x16: {  	s3 =	sld [smem:$0x3FDB];
	s0 =	simm.s32 @p2 $0x1  }
0x17: {  	s4 =	simm.s32 $0x1BF5;
	[smem:$0x3FAD] =	sst s0  }
0x18: {  	s0 =	sld [smem:$0x3F90];
	_ =	swait.ge [sflag:s4], $0x0  }
0x19: {  	s7 =	sld [smem:$0x3F91]  }
0x1a: {  	s8 =	sadd.s32 $0xFFFFE003, lr  }
0x1b: {  	s9 =	sadd.s32 $0xFFFFFEF7, lr;
	s5 =	simm.s32 $0xFFFFFFFF;
	p2 =	slt.u32 s8, $0xFFFFF086  }
0x1c: {  	p1 =	slt.u32 s9, $0xF7A;
	s5 =	simm.s32 @!p2 $0x0  }
0x1d: {  	s5 =	simm.s32 @p1 $0x1;
	p0 =	seq.s32 s7, s2  }
0x1e: {  	s7 =	smul.u32 @!p0 $0xF7A, s2;
	p2 =	seq.s32 @!p0 s5, $0x0  }
0x1f: {  	s9 =	smul.u32 $0xF7A, s1;
	s8 =	simm.s32 @!p0 $0x1BF5;
	p2 =	por !p2, p0  }
0x20: {  	[sflag:s8] =	ssyncset.s32 @!p0 $0xFFFFF086;
	s6 =	sadd.s32 @!p0 s3, s7;
	s7 =	simm.s32 @!p0 $0x108  }
0x21: {  	s3 =	sadd.s32 s3, s9;
	s6 =	sadd.s32 @!p0 $0x88, s6;
	s7 =	simm.s32 @p2 $0x1082  }
0x22: {  	[simem:s7], [sflag:s8] =	dma.local @!p0 [hbm:s6], $0xF7A  }
0x23: {  	s9 =	sor.u32 $0xD0000000, s2;
	s6 =	simm.s32 $0x108;
	_ =	swait.ge @!p0 [sflag:s8], $0x0  }
0x24: {  	s3 =	sadd.s32 $0x88, s3;
	s6 =	simm.s32 @!p1 $0x1082;
	[sflag:s4] =	ssyncset.s32 $0xFFFFF086  }
0x25: {  	[simem:s6], [sflag:s4] =	dma.local [hbm:s3], $0xF7A  }
0x26: {  	[smem:$0x3F91] =	sst s1;
	(tag) =	ssettag s2;
	_ =	strace s9  }
0x27: {  	s1 =	sld [smem:$0x3FA1]  }
0x28: {  	s2 =	sld [smem:$0x3FA2]  }
0x29: {  	s4 =	sld [smem:$0x3FA4]  }
0x2a: {  	p0 =	seq.s32 s5, $0x0;
	s5 =	sld [smem:$0x3FA5]  }
0x2b: {  	s6 =	sld [smem:$0x3FA6]  }
0x2c: {  	s7 =	sld [smem:$0x3FA7]  }
0x2d: {  	s3 =	simm.s32 $0x108;
	s8 =	sld [smem:$0x3FA8]  }
0x2e: {  	s3 =	simm.s32 @!p0 $0x1082;
	s9 =	sld [smem:$0x3FA9]  }
0x2f: {  	lr =	sadd.s32 s0, s3;
	s0 =	sld [smem:$0x3FA0]  }
0x30: {  	s3 =	sld [smem:$0x3FA3]  }
0x31: {  	[smem:$0x3FAC] =	sst s10  }
0x32: {  	s10 =	sld [smem:$0x3FAA];
	_ =	sdelay $0x3  }
0x33: {  	p0 =	seq.s32 s10, $0x1;
	s10 =	sld [smem:$0x3FAC];
	_ =	sdelay $0x3  }
0x34: {  	[smem:$0x3FAC] =	sst s10  }
0x35: {  	s10 =	sld [smem:$0x3FAB];
	_ =	sdelay $0x3  }
0x36: {  	p1 =	seq.s32 s10, $0x1;
	s10 =	sld [smem:$0x3FAC];
	_ =	sdelay $0x3  }
0x37: {  	[smem:$0x3FAC] =	sst s10  }
0x38: {  	s10 =	sld [smem:$0x3FAD]  }
0x39: {  	_ = 	snop;
	(pc) =	sbr.ind lr, $3  }
0x3a: {  	_ = 	snop  }
0x3b: {  	_ = 	snop  }
0x3c: {  	p2 =	seq.s32 s10, $0x1;
	s10 =	sld [smem:$0x3FAC]  }
0x3d: {  	_ =	shalt  }
0x3e: {  	_ =	shalt  }
0x3f: {  	_ =	shalt  }
0x40: {  	_ =	shalt  }
0x41: {  	_ =	shalt  }
0x42: {  	_ =	shalt  }
0x43: {  	_ =	shalt  }
0x44: {  	_ =	shalt  }
0x45: {  	_ =	shalt  }
0x46: {  	_ =	shalt  }
0x47: {  	_ =	shalt  }
0x48: {  	_ =	shalt  }
0x49: {  	_ =	shalt  }
0x4a: {  	_ =	shalt  }
0x4b: {  	_ =	shalt  }
0x4c: {  	_ =	shalt  }
0x4d: {  	_ =	shalt  }
0x4e: {  	_ =	shalt  }
0x4f: {  	_ =	shalt  }
0x50: {  	_ =	shalt  }
0x51: {  	_ =	shalt  }
0x52: {  	_ =	shalt  }
0x53: {  	_ =	shalt  }
0x54: {  	_ =	shalt  }
0x55: {  	_ =	shalt  }
0x56: {  	_ =	shalt  }
0x57: {  	_ =	shalt  }
0x58: {  	_ =	shalt  }
0x59: {  	_ =	shalt  }
0x5a: {  	_ =	shalt  }
0x5b: {  	_ =	shalt  }
0x5c: {  	_ =	shalt  }
0x5d: {  	_ =	shalt  }
0x5e: {  	_ =	shalt  }
0x5f: {  	_ =	shalt  }
0x60: {  	_ =	shalt  }
0x61: {  	_ =	shalt  }
0x62: {  	_ =	shalt  }
0x63: {  	_ =	shalt  }
0x64: {  	_ =	shalt  }
0x65: {  	_ =	shalt  }
0x66: {  	_ =	shalt  }
0x67: {  	_ =	shalt  }
0x68: {  	_ =	shalt  }
0x69: {  	_ =	shalt  }
0x6a: {  	_ =	shalt  }
0x6b: {  	_ =	shalt  }
0x6c: {  	_ =	shalt  }
0x6d: {  	_ =	shalt  }
0x6e: {  	_ =	shalt  }
0x6f: {  	_ =	shalt  }
0x70: {  	_ =	shalt  }
0x71: {  	_ =	shalt  }
0x72: {  	_ =	shalt  }
0x73: {  	_ =	shalt  }
0x74: {  	_ =	shalt  }
0x75: {  	_ =	shalt  }
0x76: {  	_ =	shalt  }
0x77: {  	_ =	shalt  }
0x78: {  	_ =	shalt  }
0x79: {  	_ =	shalt  }
0x7a: {  	_ =	shalt  }
0x7b: {  	_ =	shalt  }
0x7c: {  	_ =	shalt  }
0x7d: {  	_ =	shalt  }
0x7e: {  	_ =	shalt  }
0x7f: {  	_ =	shalt  }
0x80: {  	_ =	shalt  }
0x81: {  	_ =	shalt  }
0x82: {  	_ =	shalt  }
0x83: {  	_ =	shalt  }
0x84: {  	_ =	shalt  }
0x85: {  	_ =	shalt  }
0x86: {  	_ =	shalt  }
0x87: {  	_ =	shalt  }
.Lfunc_end0:
.L_simem_size_0:
called_computation_lowered:
.L_overlay_start_0:
0x88: {  	s2 =	sld [smem:$0x3FD9]  }
0x89: {  	s3 =	sld [smem:$0x3FFE];
	_ =	sdelay $0x1  }
0x8a: {  	s1 =	srdreg.scid  }
0x8b: {  	s0 =	sand.u32 $0x1, s1  }
0x8c: {  	s17 =	sshll.u32 s0, $0xA;
	s2 =	sadd.s32 s3, s2  }
0x8d: {  	s2 =	sadd.s32 s2, s17  }
0x8e: {  	[smem:$0x3FB8] =	sst s2  }
0x8f: {  	_ = 	snop  }
0x90: {  	s2 =	sld [smem:$0x3FC8];
	(tm) =	ssettm $0x1  }
0x91: {  	s18 =	sld [smem:$0x3FFB];
	_ =	sdelay $0x3  }
0x92: {  	_ =	strace s18  }
0x93: {  	s3 =	sld [smem:$0x3FFC];
	_ =	sdelay $0x3  }
0x94: {  	_ =	strace s3  }
0x95: {  	s3 =	sld [smem:$0x3FFD];
	_ =	sdelay $0x3  }
0x96: {  	_ =	strace s3  }
0x97: {  	_ =	strace $0x8FFFFFFF  }
0x98: {  	s19 =	sld [smem:$0x3FDB];
	_ =	sdelay $0x1  }
0x99: {  	s4 =	simm.s32 $_scs_section_size  }
0x9a: {  	s5 =	simm.s32 $_size__tile_overlayer_lowered;
	s6 =	simm.s32 $_tile_overlayer_lowered  }
0x9b: {  	s22 =	simm.s32 $0x1BFF;
	s21 =	sshll.u32 s6, $0x1;
	s3 =	sadd.s32 s4, s19  }
0x9c: {  	s7 =	simm.s32 $0x0;
	s20 =	sshll.u32 s5, $0x1;
	s5 =	sadd.s32 s21, s3  }
0x9d: {  	[timem:s7], [sflag:s22] =	dma.local [hbm:s5], s20  }
0x9e: {  	_ =	swait.ge [sflag:s22], s20  }
0x9f: {  	s4 =	ssub.s32 $0x0, s20;
	[sflag:s22] =	ssyncset.done $0x0  }
0xa0: {  	[sflag:s22] =	ssyncadd.s32 s4;
	_ =	sdelay $0x1  }
0xa1: {  	s23 =	simm.s32 $0x1B8B  }
0xa2: {  	_ =	swait.ge [sflag:s23], $0x1  }
0xa3: {  	[sflag:s23] =	ssyncset.done $0x0  }
0xa4: {  	s25 =	simm.s32 $0x1B8E;
	s24 =	sld [smem:$0x3FFE];
	[sflag:s23] =	ssyncadd.s32 $0xFFFFFFFF  }
0xa5: {  	s26 =	simm.s32 $execute0_lowered;
	[smem:$0x3FD2] =	sst s25  }
0xa6: {  	s5 =	sshll.u32 s26, $0x1;
	_ =	strace $0x80000046;
	[dreg:$0x1] =	wrdreg $0xFFFFFFFF  }
0xa7: {  	s28 =	simm.s32 $_size_execute0_lowered;
	s3 =	sadd.s32 s3, s5;
	[dreg:$0x0] =	wrdreg $0x0  }
0xa8: {  	s5 =	sshll.u32 s28, $0x1;
	[dreg:$0x2] =	wrdreg s3  }
0xa9: {  	[dreg:$0x3] =	wrdreg s5  }
0xaa: {  	[dreg:$0x4] =	wrdreg $0xC0  }
0xab: {  	_ =	task [dreg:s7], $0x5FFFF  }
0xac: {  	[dreg:$0x1] =	wrdreg $0xFFFFFFFF  }
0xad: {  	[dreg:$0x0] =	wrdreg $0x60  }
0xae: {  	[dreg:$0x2] =	wrdreg s2  }
0xaf: {  	[dreg:$0x3] =	wrdreg s24  }
0xb0: {  	[dreg:$0x4] =	wrdreg $0x9  }
0xb1: {  	_ =	task.clear_ibuf [dreg:s7], $0x5FFFF;
	_ =	strace $0x90000046  }
0xb2: {  	s29 =	simm.s32 $0x9;
	_ =	strace $0x80000048  }
0xb3: {  	_ =	swait.ge [sflag:s29], $0x1  }
0xb4: {  	[sflag:s29] =	ssyncadd.s32 $0xFFFFFFFF  }
0xb5: {  	_ =	strace $0x90000048  }
0xb6: {  	_ =	sfence  }
0xb7: {  	s30 =	sld [smem:$0x0];
	_ =	sdelay $0x2  }
0xb8: {  	s31 =	sshll.u32 s1, $0xD;
	s1 =	sshrl.u32 s1, $0x2  }
0xb9: {  	s3 =	sand.u32 $0x4000, s31;
	s1 =	sadd.s32 s1, s30  }
0xba: {  	s0 =	sor.u32 s3, s0;
	s1 =	sshll.u32 s1, $0x11  }
0xbb: {  	s0 =	sor.u32 s1, s0  }
0xbc: {  	s0 =	sadd.s32 $0x8F2B, s0  }
0xbd: {  	[sflag:s0] =	ssyncadd.remote.s32 $0x1  }
0xbe: {  	_ =	sfence.sel $0xFFFF  }
0xbf: {  	[dreg:$0x0] =	wrdreg $0xFFFFFFFF;
	(pc) =	sbr.abs _section_cstart, $3  }
0xc0: {  	[dreg:$0x1] =	wrdreg $0xFFFFFFFF  }
0xc1: {  	_ =	task.clear_ibuf [dreg:s7], $0x2FFFF;
	_ =	strace $0x9FFFFFFF  }
0xc2: {  	(tm) =	ssettm $0x7FFFFFFF  }
0xc3: {  	_ =	shalt  }
tec
execute0_lowered:
.L_overlay_start_1:
0x0: {  	(tag) =	ssettag $0x1  }
0x1: {  	s0 =	srdreg.scid;
	s1 =	stileid.u32  }
0x2: {  	s0 =	sand.u32 $0x1, s0;
	s1 =	sshll.u32 s1, $0x1  }
0x3: {  	s3 =	rddreg [dreg:$0x0];
	s1 =	sor.u32 s0, s1  }
0x4: {  	s4 =	rddreg [dreg:$0x1];
	s2 =	simm.s32 $0x0;
	s5 =	smul.u32 $0x320, s1  }
0x5: {  	[smem:$0x7FF] =	sst s2;
	s6 =	smul.u32 $0xC8000, s1  }
0x6: {  	_ =	strace $0x80000047;
	s1 =	smul.u32 $0x19000, s1;
	s5 =	sadd.s32 s5, s4  }
0x7: {  	s4 =	sadd.s32 $0x9000, s4;
	s6 =	sshrl.u32 s6, $0x3;
	s5 =	sadd.s32 $0x2C00, s5  }
0x8: {  	s1 =	sadd.s32 s4, s1;
	s4 =	sadd.s32 s4, s6;
	[dreg:$0x3] =	wrdreg s5  }
0x9: {  	s9 =	simm.s32 $0x140;
	[dreg:$0x4] =	wrdreg s1;
	s10 =	sadd.s32 $0x1400, s4  }
0xa: {  	s7 =	simm.s32 $0xB900;
	s11 =	sadd.s32 $0x2800, s4;
	[dreg:$0x5] =	wrdreg s10  }
0xb: {  	s8 =	simm.s32 $0x2;
	s12 =	sadd.s32 $0x3C00, s4;
	[dreg:$0x6] =	wrdreg s11  }
0xc: {  	s31 =	simm.s32 $0x280;
	s13 =	sadd.s32 $0x5000, s4;
	[dreg:$0x7] =	wrdreg s12  }
0xd: {  	s30 =	simm.s32 $0x3C0;
	s14 =	sadd.s32 $0x6400, s4;
	[dreg:$0x8] =	wrdreg s13  }
0xe: {  	s29 =	simm.s32 $0x500;
	s15 =	sadd.s32 $0x7800, s4;
	[dreg:$0x9] =	wrdreg s14  }
0xf: {  	s28 =	simm.s32 $0x640;
	s16 =	sadd.s32 $0x8C00, s4;
	[dreg:$0xa] =	wrdreg s15  }
0x10: {  	p0 =	por $0x0, $0x0;
	s17 =	sadd.s32 $0xA000, s4;
	[dreg:$0xb] =	wrdreg s16  }
0x11: {  	s0 =	ssub.s32 $0x2, s0;
	s18 =	sadd.s32 $0xB400, s4;
	[dreg:$0xc] =	wrdreg s17  }
0x12: {  	s24 =	sshrl.u32 s0, $0x1;
	s19 =	sadd.s32 $0xC800, s4;
	[dreg:$0xd] =	wrdreg s18  }
0x13: {  	s0 =	ssub.s32 s0, s24;
	s20 =	sadd.s32 $0xDC00, s4;
	[dreg:$0xe] =	wrdreg s19  }
0x14: {  	s24 =	simm.s32 $0xA00;
	s21 =	sadd.s32 $0xF000, s4;
	[dreg:$0xf] =	wrdreg s20  }
0x15: {  	s0 =	smax.u32 s0, $0x1;
	s22 =	sadd.s32 $0x10400, s4;
	[dreg:$0x10] =	wrdreg s21  }
0x16: {  	p1 =	sne.s32 s0, $0x1;
	s23 =	sadd.s32 $0x11800, s4;
	[dreg:$0x11] =	wrdreg s22  }
0x17: {  	s25 =	sadd.s32 $0x12C00, s4;
	s26 =	sadd.s32 $0x14000, s4;
	[dreg:$0x12] =	wrdreg s23  }
0x18: {  	s6 =	sadd.s32 $0x16800, s4;
	s5 =	sadd.s32 $0x17C00, s4;
	[dreg:$0x13] =	wrdreg s25  }
0x19: {  	s1 =	sadd.s32 $0xFFFFFFFF, s0;
	[dreg:$0x14] =	wrdreg s26;
	s11 =	sadd.s32 $0x15400, s4  }
0x1a: {  	s4 =	simm.s32 $0x3;
	s10 =	simm.s32 $0x1900;
	s12 =	simm.s32 $0x1  }
.Ltmp0:
0x1b: {  	s26 =	simm.s32 $0x780;
	s25 =	simm.s32 $0x8C0;
	(pc) =	sbr.rel @!p1 .LBB2_3-.Ltmp0, $4  }
0x1c: {  	s23 =	simm.s32 $0xB40;
	s22 =	simm.s32 $0xC80;
	s21 =	simm.s32 $0xDC0  }
0x1d: {  	s20 =	simm.s32 $0xF00;
	s19 =	simm.s32 $0x1040;
	s18 =	simm.s32 $0x1180  }
0x1e: {  	s17 =	simm.s32 $0x12C0;
	s16 =	simm.s32 $0x1400;
	s15 =	simm.s32 $0x1540  }
0x1f: {  	s14 =	simm.s32 $0x1680;
	s13 =	simm.s32 $0x17C0;
	s0 =	rddreg [dreg:$0x3]  }
0x20: {  	[tilespmem:s2], [sflag:$0x3] =	stream.linear.gather [hbm4b:s0+s2], $0x1900, $0x38;
	[tilespmem:$0x15900] =	vst v63  }
0x21: {  	_ =	swait.ge [sflag:s4], $0x1900  }
0x22: {  	[sflag:s4] =	ssyncset.done $0x0  }
0x23: {  	[sflag:s4] =	ssyncadd.s32 $0xFFFFE700  }
0x24: {  	[tilespmem:s10], [sflag:$0x1] =	stream.indirect.gather [hbm4b:s3+s9], $0x80, s2, s9, $0xb8;
	[tilespmem:$0x15900] =	vst v63  }
0x25: {  	_ =	swait.ge [sflag:s12], $0xA000  }
0x26: {  	[sflag:s12] =	ssyncset.done $0x0  }
0x27: {  	[sflag:s12] =	ssyncadd.s32 $0xFFFF6000  }
0x28: {  	[tilespmem:s7], [sflag:$0x2] =	stream.indirect.gather [hbm4b:s3+s9], $0x80, s9, s9, $0xb8;
	[tilespmem:$0x15900] =	vst v63  }
0x29: {  	s0 =	rddreg [dreg:$0x4]  }
0x2a: {  	[hbm4b:s0+s2] =	stream.linear.scatter [tilespmem:s10], [sflag:$0x3], $0xA000, $0x38;
	[tilespmem:$0x15900] =	vst v63  }
0x2b: {  	_ =	swait.ge [sflag:s4], $0xA000  }
0x2c: {  	[sflag:s4] =	ssyncset.done $0x0  }
0x2d: {  	[sflag:s4] =	ssyncadd.s32 $0xFFFF6000  }
0x2e: {  	_ =	swait.ge [sflag:s8], $0xA000  }
0x2f: {  	[sflag:s8] =	ssyncset.done $0x0  }
0x30: {  	[sflag:s8] =	ssyncadd.s32 $0xFFFF6000  }
0x31: {  	[tilespmem:s10], [sflag:$0x1] =	stream.indirect.gather [hbm4b:s3+s9], $0x80, s31, s9, $0xb8;
	[tilespmem:$0x15900] =	vst v63  }
0x32: {  	s0 =	rddreg [dreg:$0x5]  }
0x33: {  	[hbm4b:s0+s2] =	stream.linear.scatter [tilespmem:s7], [sflag:$0x3], $0xA000, $0x38;
	[tilespmem:$0x15900] =	vst v63  }
0x34: {  	_ =	swait.ge [sflag:s4], $0xA000  }
0x35: {  	[sflag:s4] =	ssyncset.done $0x0  }
0x36: {  	[sflag:s4] =	ssyncadd.s32 $0xFFFF6000  }
0x37: {  	_ =	swait.ge [sflag:s12], $0xA000  }
0x38: {  	[sflag:s12] =	ssyncset.done $0x0  }
0x39: {  	[sflag:s12] =	ssyncadd.s32 $0xFFFF6000  }
0x3a: {  	[tilespmem:s7], [sflag:$0x2] =	stream.indirect.gather [hbm4b:s3+s9], $0x80, s30, s9, $0xb8;
	[tilespmem:$0x15900] =	vst v63  }
0x3b: {  	s0 =	rddreg [dreg:$0x6]  }
0x3c: {  	[hbm4b:s0+s2] =	stream.linear.scatter [tilespmem:s10], [sflag:$0x3], $0xA000, $0x38;
	[tilespmem:$0x15900] =	vst v63  }
0x3d: {  	_ =	swait.ge [sflag:s4], $0xA000  }
0x3e: {  	[sflag:s4] =	ssyncset.done $0x0  }
0x3f: {  	[sflag:s4] =	ssyncadd.s32 $0xFFFF6000  }
0x40: {  	_ =	swait.ge [sflag:s8], $0xA000  }
0x41: {  	[sflag:s8] =	ssyncset.done $0x0  }
0x42: {  	[sflag:s8] =	ssyncadd.s32 $0xFFFF6000  }
0x43: {  	[tilespmem:s10], [sflag:$0x1] =	stream.indirect.gather [hbm4b:s3+s9], $0x80, s29, s9, $0xb8;
	[tilespmem:$0x15900] =	vst v63  }
0x44: {  	s0 =	rddreg [dreg:$0x7]  }
0x45: {  	[hbm4b:s0+s2] =	stream.linear.scatter [tilespmem:s7], [sflag:$0x3], $0xA000, $0x38;
	[tilespmem:$0x15900] =	vst v63  }
0x46: {  	_ =	swait.ge [sflag:s4], $0xA000  }
0x47: {  	[sflag:s4] =	ssyncset.done $0x0  }
0x48: {  	[sflag:s4] =	ssyncadd.s32 $0xFFFF6000  }
0x49: {  	_ =	swait.ge [sflag:s12], $0xA000  }
0x4a: {  	[sflag:s12] =	ssyncset.done $0x0  }
0x4b: {  	[sflag:s12] =	ssyncadd.s32 $0xFFFF6000  }
0x4c: {  	[tilespmem:s7], [sflag:$0x2] =	stream.indirect.gather [hbm4b:s3+s9], $0x80, s28, s9, $0xb8;
	[tilespmem:$0x15900] =	vst v63  }
0x4d: {  	s0 =	rddreg [dreg:$0x8]  }
0x4e: {  	[hbm4b:s0+s2] =	stream.linear.scatter [tilespmem:s10], [sflag:$0x3], $0xA000, $0x38;
	[tilespmem:$0x15900] =	vst v63  }
0x4f: {  	_ =	swait.ge [sflag:s4], $0xA000  }
0x50: {  	[sflag:s4] =	ssyncset.done $0x0  }
0x51: {  	[sflag:s4] =	ssyncadd.s32 $0xFFFF6000  }
0x52: {  	_ =	swait.ge [sflag:s8], $0xA000  }
0x53: {  	[sflag:s8] =	ssyncset.done $0x0  }
0x54: {  	[sflag:s8] =	ssyncadd.s32 $0xFFFF6000  }
0x55: {  	[tilespmem:s10], [sflag:$0x1] =	stream.indirect.gather [hbm4b:s3+s9], $0x80, s26, s9, $0xb8;
	[tilespmem:$0x15900] =	vst v63  }
0x56: {  	s0 =	rddreg [dreg:$0x9]  }
0x57: {  	[hbm4b:s0+s2] =	stream.linear.scatter [tilespmem:s7], [sflag:$0x3], $0xA000, $0x38;
	[tilespmem:$0x15900] =	vst v63  }
0x58: {  	_ =	swait.ge [sflag:s4], $0xA000  }
0x59: {  	[sflag:s4] =	ssyncset.done $0x0  }
0x5a: {  	[sflag:s4] =	ssyncadd.s32 $0xFFFF6000  }
0x5b: {  	_ =	swait.ge [sflag:s12], $0xA000  }
0x5c: {  	[sflag:s12] =	ssyncset.done $0x0  }
0x5d: {  	[sflag:s12] =	ssyncadd.s32 $0xFFFF6000  }
0x5e: {  	[tilespmem:s7], [sflag:$0x2] =	stream.indirect.gather [hbm4b:s3+s9], $0x80, s25, s9, $0xb8;
	[tilespmem:$0x15900] =	vst v63  }
0x5f: {  	s0 =	rddreg [dreg:$0xa]  }
0x60: {  	[hbm4b:s0+s2] =	stream.linear.scatter [tilespmem:s10], [sflag:$0x3], $0xA000, $0x38;
	[tilespmem:$0x15900] =	vst v63  }
0x61: {  	_ =	swait.ge [sflag:s4], $0xA000  }
0x62: {  	[sflag:s4] =	ssyncset.done $0x0  }
0x63: {  	[sflag:s4] =	ssyncadd.s32 $0xFFFF6000  }
0x64: {  	_ =	swait.ge [sflag:s8], $0xA000  }
0x65: {  	[sflag:s8] =	ssyncset.done $0x0  }
0x66: {  	[sflag:s8] =	ssyncadd.s32 $0xFFFF6000  }
0x67: {  	[tilespmem:s10], [sflag:$0x1] =	stream.indirect.gather [hbm4b:s3+s9], $0x80, s24, s9, $0xb8;
	[tilespmem:$0x15900] =	vst v63  }
0x68: {  	s0 =	rddreg [dreg:$0xb]  }
0x69: {  	[hbm4b:s0+s2] =	stream.linear.scatter [tilespmem:s7], [sflag:$0x3], $0xA000, $0x38;
	[tilespmem:$0x15900] =	vst v63  }
0x6a: {  	_ =	swait.ge [sflag:s4], $0xA000  }
0x6b: {  	[sflag:s4] =	ssyncset.done $0x0  }
0x6c: {  	[sflag:s4] =	ssyncadd.s32 $0xFFFF6000  }
0x6d: {  	_ =	swait.ge [sflag:s12], $0xA000  }
0x6e: {  	[sflag:s12] =	ssyncset.done $0x0  }
0x6f: {  	[sflag:s12] =	ssyncadd.s32 $0xFFFF6000  }
0x70: {  	[tilespmem:s7], [sflag:$0x2] =	stream.indirect.gather [hbm4b:s3+s9], $0x80, s23, s9, $0xb8;
	[tilespmem:$0x15900] =	vst v63  }
0x71: {  	s0 =	rddreg [dreg:$0xc]  }
0x72: {  	[hbm4b:s0+s2] =	stream.linear.scatter [tilespmem:s10], [sflag:$0x3], $0xA000, $0x38;
	[tilespmem:$0x15900] =	vst v63  }
0x73: {  	_ =	swait.ge [sflag:s4], $0xA000  }
0x74: {  	[sflag:s4] =	ssyncset.done $0x0  }
0x75: {  	[sflag:s4] =	ssyncadd.s32 $0xFFFF6000  }
0x76: {  	_ =	swait.ge [sflag:s8], $0xA000  }
0x77: {  	[sflag:s8] =	ssyncset.done $0x0  }
0x78: {  	[sflag:s8] =	ssyncadd.s32 $0xFFFF6000  }
0x79: {  	[tilespmem:s10], [sflag:$0x1] =	stream.indirect.gather [hbm4b:s3+s9], $0x80, s22, s9, $0xb8;
	[tilespmem:$0x15900] =	vst v63  }
0x7a: {  	s0 =	rddreg [dreg:$0xd]  }
0x7b: {  	[hbm4b:s0+s2] =	stream.linear.scatter [tilespmem:s7], [sflag:$0x3], $0xA000, $0x38;
	[tilespmem:$0x15900] =	vst v63  }
0x7c: {  	_ =	swait.ge [sflag:s4], $0xA000  }
0x7d: {  	[sflag:s4] =	ssyncset.done $0x0  }
0x7e: {  	[sflag:s4] =	ssyncadd.s32 $0xFFFF6000  }
0x7f: {  	_ =	swait.ge [sflag:s12], $0xA000  }
0x80: {  	[sflag:s12] =	ssyncset.done $0x0  }
0x81: {  	[sflag:s12] =	ssyncadd.s32 $0xFFFF6000  }
0x82: {  	[tilespmem:s7], [sflag:$0x2] =	stream.indirect.gather [hbm4b:s3+s9], $0x80, s21, s9, $0xb8;
	[tilespmem:$0x15900] =	vst v63  }
0x83: {  	s0 =	rddreg [dreg:$0xe]  }
0x84: {  	[hbm4b:s0+s2] =	stream.linear.scatter [tilespmem:s10], [sflag:$0x3], $0xA000, $0x38;
	[tilespmem:$0x15900] =	vst v63  }
0x85: {  	_ =	swait.ge [sflag:s4], $0xA000  }
0x86: {  	[sflag:s4] =	ssyncset.done $0x0  }
0x87: {  	[sflag:s4] =	ssyncadd.s32 $0xFFFF6000  }
0x88: {  	_ =	swait.ge [sflag:s8], $0xA000  }
0x89: {  	[sflag:s8] =	ssyncset.done $0x0  }
0x8a: {  	[sflag:s8] =	ssyncadd.s32 $0xFFFF6000  }
0x8b: {  	[tilespmem:s10], [sflag:$0x1] =	stream.indirect.gather [hbm4b:s3+s9], $0x80, s20, s9, $0xb8;
	[tilespmem:$0x15900] =	vst v63  }
0x8c: {  	s0 =	rddreg [dreg:$0xf]  }
0x8d: {  	[hbm4b:s0+s2] =	stream.linear.scatter [tilespmem:s7], [sflag:$0x3], $0xA000, $0x38;
	[tilespmem:$0x15900] =	vst v63  }
0x8e: {  	_ =	swait.ge [sflag:s4], $0xA000  }
0x8f: {  	[sflag:s4] =	ssyncset.done $0x0  }
0x90: {  	[sflag:s4] =	ssyncadd.s32 $0xFFFF6000  }
0x91: {  	_ =	swait.ge [sflag:s12], $0xA000  }
0x92: {  	[sflag:s12] =	ssyncset.done $0x0  }
0x93: {  	[sflag:s12] =	ssyncadd.s32 $0xFFFF6000  }
0x94: {  	[tilespmem:s7], [sflag:$0x2] =	stream.indirect.gather [hbm4b:s3+s9], $0x80, s19, s9, $0xb8;
	[tilespmem:$0x15900] =	vst v63  }
0x95: {  	s0 =	rddreg [dreg:$0x10]  }
0x96: {  	[hbm4b:s0+s2] =	stream.linear.scatter [tilespmem:s10], [sflag:$0x3], $0xA000, $0x38;
	[tilespmem:$0x15900] =	vst v63  }
0x97: {  	_ =	swait.ge [sflag:s4], $0xA000  }
0x98: {  	[sflag:s4] =	ssyncset.done $0x0  }
0x99: {  	[sflag:s4] =	ssyncadd.s32 $0xFFFF6000  }
0x9a: {  	_ =	swait.ge [sflag:s8], $0xA000  }
0x9b: {  	[sflag:s8] =	ssyncset.done $0x0  }
0x9c: {  	[sflag:s8] =	ssyncadd.s32 $0xFFFF6000  }
0x9d: {  	[tilespmem:s10], [sflag:$0x1] =	stream.indirect.gather [hbm4b:s3+s9], $0x80, s18, s9, $0xb8;
	[tilespmem:$0x15900] =	vst v63  }
0x9e: {  	s0 =	rddreg [dreg:$0x11]  }
0x9f: {  	[hbm4b:s0+s2] =	stream.linear.scatter [tilespmem:s7], [sflag:$0x3], $0xA000, $0x38;
	[tilespmem:$0x15900] =	vst v63  }
0xa0: {  	_ =	swait.ge [sflag:s4], $0xA000  }
0xa1: {  	[sflag:s4] =	ssyncset.done $0x0  }
0xa2: {  	[sflag:s4] =	ssyncadd.s32 $0xFFFF6000  }
0xa3: {  	_ =	swait.ge [sflag:s12], $0xA000  }
0xa4: {  	[sflag:s12] =	ssyncset.done $0x0  }
0xa5: {  	[sflag:s12] =	ssyncadd.s32 $0xFFFF6000  }
0xa6: {  	[tilespmem:s7], [sflag:$0x2] =	stream.indirect.gather [hbm4b:s3+s9], $0x80, s17, s9, $0xb8;
	[tilespmem:$0x15900] =	vst v63  }
0xa7: {  	s0 =	rddreg [dreg:$0x12]  }
0xa8: {  	[hbm4b:s0+s2] =	stream.linear.scatter [tilespmem:s10], [sflag:$0x3], $0xA000, $0x38;
	[tilespmem:$0x15900] =	vst v63  }
0xa9: {  	_ =	swait.ge [sflag:s4], $0xA000  }
0xaa: {  	[sflag:s4] =	ssyncset.done $0x0  }
0xab: {  	[sflag:s4] =	ssyncadd.s32 $0xFFFF6000  }
0xac: {  	_ =	swait.ge [sflag:s8], $0xA000  }
0xad: {  	[sflag:s8] =	ssyncset.done $0x0  }
0xae: {  	[sflag:s8] =	ssyncadd.s32 $0xFFFF6000  }
0xaf: {  	[tilespmem:s10], [sflag:$0x1] =	stream.indirect.gather [hbm4b:s3+s9], $0x80, s16, s9, $0xb8;
	[tilespmem:$0x15900] =	vst v63  }
0xb0: {  	s0 =	rddreg [dreg:$0x13]  }
0xb1: {  	[hbm4b:s0+s2] =	stream.linear.scatter [tilespmem:s7], [sflag:$0x3], $0xA000, $0x38;
	[tilespmem:$0x15900] =	vst v63  }
0xb2: {  	_ =	swait.ge [sflag:s4], $0xA000  }
0xb3: {  	[sflag:s4] =	ssyncset.done $0x0  }
0xb4: {  	[sflag:s4] =	ssyncadd.s32 $0xFFFF6000  }
0xb5: {  	_ =	swait.ge [sflag:s12], $0xA000  }
0xb6: {  	[sflag:s12] =	ssyncset.done $0x0  }
0xb7: {  	[sflag:s12] =	ssyncadd.s32 $0xFFFF6000  }
0xb8: {  	[tilespmem:s7], [sflag:$0x2] =	stream.indirect.gather [hbm4b:s3+s9], $0x80, s15, s9, $0xb8;
	[tilespmem:$0x15900] =	vst v63  }
0xb9: {  	s0 =	rddreg [dreg:$0x14]  }
0xba: {  	[hbm4b:s0+s2] =	stream.linear.scatter [tilespmem:s10], [sflag:$0x3], $0xA000, $0x38;
	[tilespmem:$0x15900] =	vst v63  }
0xbb: {  	_ =	swait.ge [sflag:s4], $0xA000  }
0xbc: {  	[sflag:s4] =	ssyncset.done $0x0  }
0xbd: {  	[sflag:s4] =	ssyncadd.s32 $0xFFFF6000  }
0xbe: {  	_ =	swait.ge [sflag:s8], $0xA000  }
0xbf: {  	[sflag:s8] =	ssyncset.done $0x0  }
0xc0: {  	[sflag:s8] =	ssyncadd.s32 $0xFFFF6000  }
0xc1: {  	[tilespmem:s10], [sflag:$0x1] =	stream.indirect.gather [hbm4b:s3+s9], $0x80, s14, s9, $0xb8;
	[tilespmem:$0x15900] =	vst v63  }
0xc2: {  	_ = 	snop  }
0xc3: {  	[hbm4b:s11+s2] =	stream.linear.scatter [tilespmem:s7], [sflag:$0x3], $0xA000, $0x38;
	[tilespmem:$0x15900] =	vst v63  }
0xc4: {  	_ =	swait.ge [sflag:s4], $0xA000  }
0xc5: {  	[sflag:s4] =	ssyncset.done $0x0  }
0xc6: {  	[sflag:s4] =	ssyncadd.s32 $0xFFFF6000  }
0xc7: {  	_ =	swait.ge [sflag:s12], $0xA000  }
0xc8: {  	[sflag:s12] =	ssyncset.done $0x0  }
0xc9: {  	[sflag:s12] =	ssyncadd.s32 $0xFFFF6000  }
0xca: {  	[tilespmem:s7], [sflag:$0x2] =	stream.indirect.gather [hbm4b:s3+s9], $0x80, s13, s9, $0xb8;
	[tilespmem:$0x15900] =	vst v63  }
0xcb: {  	_ = 	snop  }
0xcc: {  	[hbm4b:s6+s2] =	stream.linear.scatter [tilespmem:s10], [sflag:$0x3], $0xA000, $0x38;
	[tilespmem:$0x15900] =	vst v63  }
0xcd: {  	_ =	swait.ge [sflag:s4], $0xA000  }
0xce: {  	[sflag:s4] =	ssyncset.done $0x0  }
0xcf: {  	[sflag:s4] =	ssyncadd.s32 $0xFFFF6000  }
0xd0: {  	p1 =	sne.s32 s1, $0x1;
	_ =	swait.ge [sflag:s8], $0xA000  }
.Ltmp1:
0xd1: {  	[sflag:s8] =	ssyncset.done $0x0;
	(pc) =	sbr.rel @!p1 .LBB2_3-.Ltmp1, $4  }
0xd2: {  	[sflag:s8] =	ssyncadd.s32 $0xFFFF6000  }
0xd3: {  	[hbm4b:s5+s2] =	stream.linear.scatter [tilespmem:s7], [sflag:$0x3], $0xA000, $0x38;
	[tilespmem:$0x15900] =	vst v63  }
0xd4: {  	s1 =	sadd.s32 $0xFFFFFFFF, s1;
	_ =	swait.ge [sflag:s4], $0xA000  }
0xd5: {  	p0 =	por $0x1, $0x1;
	s0 =	rddreg [dreg:$0x3];
	[sflag:s4] =	ssyncset.done $0x0  }
.LBB2_2:
0xd6: {  	[sflag:s4] =	ssyncadd.s32 $0xFFFF6000  }
0xd7: {  	[tilespmem:s2], [sflag:$0x3] =	stream.linear.gather [hbm4b:s0+s2], $0x1900, $0x38;
	[tilespmem:$0x15900] =	vst v63  }
0xd8: {  	_ =	swait.ge [sflag:s4], $0x1900  }
0xd9: {  	[sflag:s4] =	ssyncset.done $0x0  }
0xda: {  	[sflag:s4] =	ssyncadd.s32 $0xFFFFE700  }
0xdb: {  	[tilespmem:s10], [sflag:$0x1] =	stream.indirect.gather [hbm4b:s3+s9], $0x80, s2, s9, $0xb8;
	[tilespmem:$0x15900] =	vst v63  }
0xdc: {  	_ =	swait.ge [sflag:s12], $0xA000  }
0xdd: {  	[sflag:s12] =	ssyncset.done $0x0  }
0xde: {  	[sflag:s12] =	ssyncadd.s32 $0xFFFF6000  }
0xdf: {  	[tilespmem:s7], [sflag:$0x2] =	stream.indirect.gather [hbm4b:s3+s9], $0x80, s9, s9, $0xb8;
	[tilespmem:$0x15900] =	vst v63  }
0xe0: {  	s0 =	rddreg [dreg:$0x4]  }
0xe1: {  	[hbm4b:s0+s2] =	stream.linear.scatter [tilespmem:s10], [sflag:$0x3], $0xA000, $0x38;
	[tilespmem:$0x15900] =	vst v63  }
0xe2: {  	_ =	swait.ge [sflag:s4], $0xA000  }
0xe3: {  	[sflag:s4] =	ssyncset.done $0x0  }
0xe4: {  	[sflag:s4] =	ssyncadd.s32 $0xFFFF6000  }
0xe5: {  	_ =	swait.ge [sflag:s8], $0xA000  }
0xe6: {  	[sflag:s8] =	ssyncset.done $0x0  }
0xe7: {  	[sflag:s8] =	ssyncadd.s32 $0xFFFF6000  }
0xe8: {  	[tilespmem:s10], [sflag:$0x1] =	stream.indirect.gather [hbm4b:s3+s9], $0x80, s31, s9, $0xb8;
	[tilespmem:$0x15900] =	vst v63  }
0xe9: {  	s0 =	rddreg [dreg:$0x5]  }
0xea: {  	[hbm4b:s0+s2] =	stream.linear.scatter [tilespmem:s7], [sflag:$0x3], $0xA000, $0x38;
	[tilespmem:$0x15900] =	vst v63  }
0xeb: {  	_ =	swait.ge [sflag:s4], $0xA000  }
0xec: {  	[sflag:s4] =	ssyncset.done $0x0  }
0xed: {  	[sflag:s4] =	ssyncadd.s32 $0xFFFF6000  }
0xee: {  	_ =	swait.ge [sflag:s12], $0xA000  }
0xef: {  	[sflag:s12] =	ssyncset.done $0x0  }
0xf0: {  	[sflag:s12] =	ssyncadd.s32 $0xFFFF6000  }
0xf1: {  	[tilespmem:s7], [sflag:$0x2] =	stream.indirect.gather [hbm4b:s3+s9], $0x80, s30, s9, $0xb8;
	[tilespmem:$0x15900] =	vst v63  }
0xf2: {  	s0 =	rddreg [dreg:$0x6]  }
0xf3: {  	[hbm4b:s0+s2] =	stream.linear.scatter [tilespmem:s10], [sflag:$0x3], $0xA000, $0x38;
	[tilespmem:$0x15900] =	vst v63  }
0xf4: {  	_ =	swait.ge [sflag:s4], $0xA000  }
0xf5: {  	[sflag:s4] =	ssyncset.done $0x0  }
0xf6: {  	[sflag:s4] =	ssyncadd.s32 $0xFFFF6000  }
0xf7: {  	_ =	swait.ge [sflag:s8], $0xA000  }
0xf8: {  	[sflag:s8] =	ssyncset.done $0x0  }
0xf9: {  	[sflag:s8] =	ssyncadd.s32 $0xFFFF6000  }
0xfa: {  	[tilespmem:s10], [sflag:$0x1] =	stream.indirect.gather [hbm4b:s3+s9], $0x80, s29, s9, $0xb8;
	[tilespmem:$0x15900] =	vst v63  }
0xfb: {  	s0 =	rddreg [dreg:$0x7]  }
0xfc: {  	[hbm4b:s0+s2] =	stream.linear.scatter [tilespmem:s7], [sflag:$0x3], $0xA000, $0x38;
	[tilespmem:$0x15900] =	vst v63  }
0xfd: {  	_ =	swait.ge [sflag:s4], $0xA000  }
0xfe: {  	[sflag:s4] =	ssyncset.done $0x0  }
0xff: {  	[sflag:s4] =	ssyncadd.s32 $0xFFFF6000  }
0x100: {  	_ =	swait.ge [sflag:s12], $0xA000  }
0x101: {  	[sflag:s12] =	ssyncset.done $0x0  }
0x102: {  	[sflag:s12] =	ssyncadd.s32 $0xFFFF6000  }
0x103: {  	[tilespmem:s7], [sflag:$0x2] =	stream.indirect.gather [hbm4b:s3+s9], $0x80, s28, s9, $0xb8;
	[tilespmem:$0x15900] =	vst v63  }
0x104: {  	s0 =	rddreg [dreg:$0x8]  }
0x105: {  	[hbm4b:s0+s2] =	stream.linear.scatter [tilespmem:s10], [sflag:$0x3], $0xA000, $0x38;
	[tilespmem:$0x15900] =	vst v63  }
0x106: {  	_ =	swait.ge [sflag:s4], $0xA000  }
0x107: {  	[sflag:s4] =	ssyncset.done $0x0  }
0x108: {  	[sflag:s4] =	ssyncadd.s32 $0xFFFF6000  }
0x109: {  	_ =	swait.ge [sflag:s8], $0xA000  }
0x10a: {  	[sflag:s8] =	ssyncset.done $0x0  }
0x10b: {  	[sflag:s8] =	ssyncadd.s32 $0xFFFF6000  }
0x10c: {  	[tilespmem:s10], [sflag:$0x1] =	stream.indirect.gather [hbm4b:s3+s9], $0x80, s26, s9, $0xb8;
	[tilespmem:$0x15900] =	vst v63  }
0x10d: {  	s0 =	rddreg [dreg:$0x9]  }
0x10e: {  	[hbm4b:s0+s2] =	stream.linear.scatter [tilespmem:s7], [sflag:$0x3], $0xA000, $0x38;
	[tilespmem:$0x15900] =	vst v63  }
0x10f: {  	_ =	swait.ge [sflag:s4], $0xA000  }
0x110: {  	[sflag:s4] =	ssyncset.done $0x0  }
0x111: {  	[sflag:s4] =	ssyncadd.s32 $0xFFFF6000  }
0x112: {  	_ =	swait.ge [sflag:s12], $0xA000  }
0x113: {  	[sflag:s12] =	ssyncset.done $0x0  }
0x114: {  	[sflag:s12] =	ssyncadd.s32 $0xFFFF6000  }
0x115: {  	[tilespmem:s7], [sflag:$0x2] =	stream.indirect.gather [hbm4b:s3+s9], $0x80, s25, s9, $0xb8;
	[tilespmem:$0x15900] =	vst v63  }
0x116: {  	s0 =	rddreg [dreg:$0xa]  }
0x117: {  	[hbm4b:s0+s2] =	stream.linear.scatter [tilespmem:s10], [sflag:$0x3], $0xA000, $0x38;
	[tilespmem:$0x15900] =	vst v63  }
0x118: {  	_ =	swait.ge [sflag:s4], $0xA000  }
0x119: {  	[sflag:s4] =	ssyncset.done $0x0  }
0x11a: {  	[sflag:s4] =	ssyncadd.s32 $0xFFFF6000  }
0x11b: {  	_ =	swait.ge [sflag:s8], $0xA000  }
0x11c: {  	[sflag:s8] =	ssyncset.done $0x0  }
0x11d: {  	[sflag:s8] =	ssyncadd.s32 $0xFFFF6000  }
0x11e: {  	[tilespmem:s10], [sflag:$0x1] =	stream.indirect.gather [hbm4b:s3+s9], $0x80, s24, s9, $0xb8;
	[tilespmem:$0x15900] =	vst v63  }
0x11f: {  	s0 =	rddreg [dreg:$0xb]  }
0x120: {  	[hbm4b:s0+s2] =	stream.linear.scatter [tilespmem:s7], [sflag:$0x3], $0xA000, $0x38;
	[tilespmem:$0x15900] =	vst v63  }
0x121: {  	_ =	swait.ge [sflag:s4], $0xA000  }
0x122: {  	[sflag:s4] =	ssyncset.done $0x0  }
0x123: {  	[sflag:s4] =	ssyncadd.s32 $0xFFFF6000  }
0x124: {  	_ =	swait.ge [sflag:s12], $0xA000  }
0x125: {  	[sflag:s12] =	ssyncset.done $0x0  }
0x126: {  	[sflag:s12] =	ssyncadd.s32 $0xFFFF6000  }
0x127: {  	[tilespmem:s7], [sflag:$0x2] =	stream.indirect.gather [hbm4b:s3+s9], $0x80, s23, s9, $0xb8;
	[tilespmem:$0x15900] =	vst v63  }
0x128: {  	s0 =	rddreg [dreg:$0xc]  }
0x129: {  	[hbm4b:s0+s2] =	stream.linear.scatter [tilespmem:s10], [sflag:$0x3], $0xA000, $0x38;
	[tilespmem:$0x15900] =	vst v63  }
0x12a: {  	_ =	swait.ge [sflag:s4], $0xA000  }
0x12b: {  	[sflag:s4] =	ssyncset.done $0x0  }
0x12c: {  	[sflag:s4] =	ssyncadd.s32 $0xFFFF6000  }
0x12d: {  	_ =	swait.ge [sflag:s8], $0xA000  }
0x12e: {  	[sflag:s8] =	ssyncset.done $0x0  }
0x12f: {  	[sflag:s8] =	ssyncadd.s32 $0xFFFF6000  }
0x130: {  	[tilespmem:s10], [sflag:$0x1] =	stream.indirect.gather [hbm4b:s3+s9], $0x80, s22, s9, $0xb8;
	[tilespmem:$0x15900] =	vst v63  }
0x131: {  	s0 =	rddreg [dreg:$0xd]  }
0x132: {  	[hbm4b:s0+s2] =	stream.linear.scatter [tilespmem:s7], [sflag:$0x3], $0xA000, $0x38;
	[tilespmem:$0x15900] =	vst v63  }
0x133: {  	_ =	swait.ge [sflag:s4], $0xA000  }
0x134: {  	[sflag:s4] =	ssyncset.done $0x0  }
0x135: {  	[sflag:s4] =	ssyncadd.s32 $0xFFFF6000  }
0x136: {  	_ =	swait.ge [sflag:s12], $0xA000  }
0x137: {  	[sflag:s12] =	ssyncset.done $0x0  }
0x138: {  	[sflag:s12] =	ssyncadd.s32 $0xFFFF6000  }
0x139: {  	[tilespmem:s7], [sflag:$0x2] =	stream.indirect.gather [hbm4b:s3+s9], $0x80, s21, s9, $0xb8;
	[tilespmem:$0x15900] =	vst v63  }
0x13a: {  	s0 =	rddreg [dreg:$0xe]  }
0x13b: {  	[hbm4b:s0+s2] =	stream.linear.scatter [tilespmem:s10], [sflag:$0x3], $0xA000, $0x38;
	[tilespmem:$0x15900] =	vst v63  }
0x13c: {  	_ =	swait.ge [sflag:s4], $0xA000  }
0x13d: {  	[sflag:s4] =	ssyncset.done $0x0  }
0x13e: {  	[sflag:s4] =	ssyncadd.s32 $0xFFFF6000  }
0x13f: {  	_ =	swait.ge [sflag:s8], $0xA000  }
0x140: {  	[sflag:s8] =	ssyncset.done $0x0  }
0x141: {  	[sflag:s8] =	ssyncadd.s32 $0xFFFF6000  }
0x142: {  	[tilespmem:s10], [sflag:$0x1] =	stream.indirect.gather [hbm4b:s3+s9], $0x80, s20, s9, $0xb8;
	[tilespmem:$0x15900] =	vst v63  }
0x143: {  	s0 =	rddreg [dreg:$0xf]  }
0x144: {  	[hbm4b:s0+s2] =	stream.linear.scatter [tilespmem:s7], [sflag:$0x3], $0xA000, $0x38;
	[tilespmem:$0x15900] =	vst v63  }
0x145: {  	_ =	swait.ge [sflag:s4], $0xA000  }
0x146: {  	[sflag:s4] =	ssyncset.done $0x0  }
0x147: {  	[sflag:s4] =	ssyncadd.s32 $0xFFFF6000  }
0x148: {  	_ =	swait.ge [sflag:s12], $0xA000  }
0x149: {  	[sflag:s12] =	ssyncset.done $0x0  }
0x14a: {  	[sflag:s12] =	ssyncadd.s32 $0xFFFF6000  }
0x14b: {  	[tilespmem:s7], [sflag:$0x2] =	stream.indirect.gather [hbm4b:s3+s9], $0x80, s19, s9, $0xb8;
	[tilespmem:$0x15900] =	vst v63  }
0x14c: {  	s0 =	rddreg [dreg:$0x10]  }
0x14d: {  	[hbm4b:s0+s2] =	stream.linear.scatter [tilespmem:s10], [sflag:$0x3], $0xA000, $0x38;
	[tilespmem:$0x15900] =	vst v63  }
0x14e: {  	_ =	swait.ge [sflag:s4], $0xA000  }
0x14f: {  	[sflag:s4] =	ssyncset.done $0x0  }
0x150: {  	[sflag:s4] =	ssyncadd.s32 $0xFFFF6000  }
0x151: {  	_ =	swait.ge [sflag:s8], $0xA000  }
0x152: {  	[sflag:s8] =	ssyncset.done $0x0  }
0x153: {  	[sflag:s8] =	ssyncadd.s32 $0xFFFF6000  }
0x154: {  	[tilespmem:s10], [sflag:$0x1] =	stream.indirect.gather [hbm4b:s3+s9], $0x80, s18, s9, $0xb8;
	[tilespmem:$0x15900] =	vst v63  }
0x155: {  	s0 =	rddreg [dreg:$0x11]  }
0x156: {  	[hbm4b:s0+s2] =	stream.linear.scatter [tilespmem:s7], [sflag:$0x3], $0xA000, $0x38;
	[tilespmem:$0x15900] =	vst v63  }
0x157: {  	_ =	swait.ge [sflag:s4], $0xA000  }
0x158: {  	[sflag:s4] =	ssyncset.done $0x0  }
0x159: {  	[sflag:s4] =	ssyncadd.s32 $0xFFFF6000  }
0x15a: {  	_ =	swait.ge [sflag:s12], $0xA000  }
0x15b: {  	[sflag:s12] =	ssyncset.done $0x0  }
0x15c: {  	[sflag:s12] =	ssyncadd.s32 $0xFFFF6000  }
0x15d: {  	[tilespmem:s7], [sflag:$0x2] =	stream.indirect.gather [hbm4b:s3+s9], $0x80, s17, s9, $0xb8;
	[tilespmem:$0x15900] =	vst v63  }
0x15e: {  	s0 =	rddreg [dreg:$0x12]  }
0x15f: {  	[hbm4b:s0+s2] =	stream.linear.scatter [tilespmem:s10], [sflag:$0x3], $0xA000, $0x38;
	[tilespmem:$0x15900] =	vst v63  }
0x160: {  	_ =	swait.ge [sflag:s4], $0xA000  }
0x161: {  	[sflag:s4] =	ssyncset.done $0x0  }
0x162: {  	[sflag:s4] =	ssyncadd.s32 $0xFFFF6000  }
0x163: {  	_ =	swait.ge [sflag:s8], $0xA000  }
0x164: {  	[sflag:s8] =	ssyncset.done $0x0  }
0x165: {  	[sflag:s8] =	ssyncadd.s32 $0xFFFF6000  }
0x166: {  	[tilespmem:s10], [sflag:$0x1] =	stream.indirect.gather [hbm4b:s3+s9], $0x80, s16, s9, $0xb8;
	[tilespmem:$0x15900] =	vst v63  }
0x167: {  	s0 =	rddreg [dreg:$0x13]  }
0x168: {  	[hbm4b:s0+s2] =	stream.linear.scatter [tilespmem:s7], [sflag:$0x3], $0xA000, $0x38;
	[tilespmem:$0x15900] =	vst v63  }
0x169: {  	_ =	swait.ge [sflag:s4], $0xA000  }
0x16a: {  	[sflag:s4] =	ssyncset.done $0x0  }
0x16b: {  	[sflag:s4] =	ssyncadd.s32 $0xFFFF6000  }
0x16c: {  	_ =	swait.ge [sflag:s12], $0xA000  }
0x16d: {  	[sflag:s12] =	ssyncset.done $0x0  }
0x16e: {  	[sflag:s12] =	ssyncadd.s32 $0xFFFF6000  }
0x16f: {  	[tilespmem:s7], [sflag:$0x2] =	stream.indirect.gather [hbm4b:s3+s9], $0x80, s15, s9, $0xb8;
	[tilespmem:$0x15900] =	vst v63  }
0x170: {  	s0 =	rddreg [dreg:$0x14]  }
0x171: {  	[hbm4b:s0+s2] =	stream.linear.scatter [tilespmem:s10], [sflag:$0x3], $0xA000, $0x38;
	[tilespmem:$0x15900] =	vst v63  }
0x172: {  	_ =	swait.ge [sflag:s4], $0xA000  }
0x173: {  	[sflag:s4] =	ssyncset.done $0x0  }
0x174: {  	[sflag:s4] =	ssyncadd.s32 $0xFFFF6000  }
0x175: {  	_ =	swait.ge [sflag:s8], $0xA000  }
0x176: {  	[sflag:s8] =	ssyncset.done $0x0  }
0x177: {  	[sflag:s8] =	ssyncadd.s32 $0xFFFF6000  }
0x178: {  	[tilespmem:s10], [sflag:$0x1] =	stream.indirect.gather [hbm4b:s3+s9], $0x80, s14, s9, $0xb8;
	[tilespmem:$0x15900] =	vst v63  }
0x179: {  	_ = 	snop  }
0x17a: {  	[hbm4b:s11+s2] =	stream.linear.scatter [tilespmem:s7], [sflag:$0x3], $0xA000, $0x38;
	[tilespmem:$0x15900] =	vst v63  }
0x17b: {  	_ =	swait.ge [sflag:s4], $0xA000  }
0x17c: {  	[sflag:s4] =	ssyncset.done $0x0  }
0x17d: {  	[sflag:s4] =	ssyncadd.s32 $0xFFFF6000  }
0x17e: {  	_ =	swait.ge [sflag:s12], $0xA000  }
0x17f: {  	[sflag:s12] =	ssyncset.done $0x0  }
0x180: {  	[sflag:s12] =	ssyncadd.s32 $0xFFFF6000  }
0x181: {  	[tilespmem:s7], [sflag:$0x2] =	stream.indirect.gather [hbm4b:s3+s9], $0x80, s13, s9, $0xb8;
	[tilespmem:$0x15900] =	vst v63  }
0x182: {  	_ = 	snop  }
0x183: {  	[hbm4b:s6+s2] =	stream.linear.scatter [tilespmem:s10], [sflag:$0x3], $0xA000, $0x38;
	[tilespmem:$0x15900] =	vst v63  }
0x184: {  	_ =	swait.ge [sflag:s4], $0xA000  }
0x185: {  	[sflag:s4] =	ssyncset.done $0x0  }
0x186: {  	[sflag:s4] =	ssyncadd.s32 $0xFFFF6000  }
0x187: {  	p1 =	sne.s32 s1, $0x1;
	_ =	swait.ge [sflag:s8], $0xA000  }
.Ltmp2:
0x188: {  	[sflag:s8] =	ssyncset.done $0x0;
	(pc) =	sbr.rel @p1 .LBB2_2-.Ltmp2, $4  }
0x189: {  	[sflag:s8] =	ssyncadd.s32 $0xFFFF6000  }
0x18a: {  	[hbm4b:s5+s2] =	stream.linear.scatter [tilespmem:s7], [sflag:$0x3], $0xA000, $0x38;
	[tilespmem:$0x15900] =	vst v63  }
0x18b: {  	_ =	swait.ge [sflag:s4], $0xA000  }
0x18c: {  	s1 =	sadd.s32 $0xFFFFFFFF, s1;
	s0 =	rddreg [dreg:$0x3];
	[sflag:s4] =	ssyncset.done $0x0  }
.LBB2_3:
0x18d: {  	[sflag:s4] =	ssyncadd.s32 @p0 $0xFFFF6000  }
0x18e: {  	[tilespmem:s2], [sflag:$0x3] =	stream.linear.gather [hbm4b:s0+s2], $0x1900, $0x38;
	[tilespmem:$0x15900] =	vst v63  }
0x18f: {  	_ =	swait.ge [sflag:s4], $0x1900  }
0x190: {  	[sflag:s4] =	ssyncset.done $0x0  }
0x191: {  	[sflag:s4] =	ssyncadd.s32 $0xFFFFE700  }
0x192: {  	[tilespmem:s10], [sflag:$0x1] =	stream.indirect.gather [hbm4b:s3+s9], $0x80, s2, s9, $0xb8;
	[tilespmem:$0x15900] =	vst v63  }
0x193: {  	_ =	swait.ge [sflag:s12], $0xA000  }
0x194: {  	[sflag:s12] =	ssyncset.done $0x0  }
0x195: {  	[sflag:s12] =	ssyncadd.s32 $0xFFFF6000  }
0x196: {  	[tilespmem:s7], [sflag:$0x2] =	stream.indirect.gather [hbm4b:s3+s9], $0x80, s9, s9, $0xb8;
	[tilespmem:$0x15900] =	vst v63  }
0x197: {  	s1 =	rddreg [dreg:$0x4]  }
0x198: {  	[hbm4b:s1+s2] =	stream.linear.scatter [tilespmem:s10], [sflag:$0x3], $0xA000, $0x38;
	[tilespmem:$0x15900] =	vst v63  }
0x199: {  	_ =	swait.ge [sflag:s4], $0xA000  }
0x19a: {  	[sflag:s4] =	ssyncset.done $0x0  }
0x19b: {  	[sflag:s4] =	ssyncadd.s32 $0xFFFF6000  }
0x19c: {  	_ =	swait.ge [sflag:s8], $0xA000  }
0x19d: {  	[sflag:s8] =	ssyncset.done $0x0  }
0x19e: {  	[sflag:s8] =	ssyncadd.s32 $0xFFFF6000  }
0x19f: {  	[tilespmem:s10], [sflag:$0x1] =	stream.indirect.gather [hbm4b:s3+s9], $0x80, s31, s9, $0xb8;
	[tilespmem:$0x15900] =	vst v63  }
0x1a0: {  	s1 =	rddreg [dreg:$0x5]  }
0x1a1: {  	[hbm4b:s1+s2] =	stream.linear.scatter [tilespmem:s7], [sflag:$0x3], $0xA000, $0x38;
	[tilespmem:$0x15900] =	vst v63  }
0x1a2: {  	_ =	swait.ge [sflag:s4], $0xA000  }
0x1a3: {  	[sflag:s4] =	ssyncset.done $0x0  }
0x1a4: {  	[sflag:s4] =	ssyncadd.s32 $0xFFFF6000  }
0x1a5: {  	_ =	swait.ge [sflag:s12], $0xA000  }
0x1a6: {  	[sflag:s12] =	ssyncset.done $0x0  }
0x1a7: {  	[sflag:s12] =	ssyncadd.s32 $0xFFFF6000  }
0x1a8: {  	[tilespmem:s7], [sflag:$0x2] =	stream.indirect.gather [hbm4b:s3+s9], $0x80, s30, s9, $0xb8;
	[tilespmem:$0x15900] =	vst v63  }
0x1a9: {  	s1 =	rddreg [dreg:$0x6]  }
0x1aa: {  	[hbm4b:s1+s2] =	stream.linear.scatter [tilespmem:s10], [sflag:$0x3], $0xA000, $0x38;
	[tilespmem:$0x15900] =	vst v63  }
0x1ab: {  	_ =	swait.ge [sflag:s4], $0xA000  }
0x1ac: {  	[sflag:s4] =	ssyncset.done $0x0  }
0x1ad: {  	[sflag:s4] =	ssyncadd.s32 $0xFFFF6000  }
0x1ae: {  	_ =	swait.ge [sflag:s8], $0xA000  }
0x1af: {  	[sflag:s8] =	ssyncset.done $0x0  }
0x1b0: {  	[sflag:s8] =	ssyncadd.s32 $0xFFFF6000  }
0x1b1: {  	[tilespmem:s10], [sflag:$0x1] =	stream.indirect.gather [hbm4b:s3+s9], $0x80, s29, s9, $0xb8;
	[tilespmem:$0x15900] =	vst v63  }
0x1b2: {  	s31 =	rddreg [dreg:$0x7]  }
0x1b3: {  	[hbm4b:s31+s2] =	stream.linear.scatter [tilespmem:s7], [sflag:$0x3], $0xA000, $0x38;
	[tilespmem:$0x15900] =	vst v63  }
0x1b4: {  	_ =	swait.ge [sflag:s4], $0xA000  }
0x1b5: {  	[sflag:s4] =	ssyncset.done $0x0  }
0x1b6: {  	[sflag:s4] =	ssyncadd.s32 $0xFFFF6000  }
0x1b7: {  	_ =	swait.ge [sflag:s12], $0xA000  }
0x1b8: {  	[sflag:s12] =	ssyncset.done $0x0  }
0x1b9: {  	[sflag:s12] =	ssyncadd.s32 $0xFFFF6000  }
0x1ba: {  	[tilespmem:s7], [sflag:$0x2] =	stream.indirect.gather [hbm4b:s3+s9], $0x80, s28, s9, $0xb8;
	[tilespmem:$0x15900] =	vst v63  }
0x1bb: {  	s1 =	rddreg [dreg:$0x8]  }
0x1bc: {  	[hbm4b:s1+s2] =	stream.linear.scatter [tilespmem:s10], [sflag:$0x3], $0xA000, $0x38;
	[tilespmem:$0x15900] =	vst v63  }
0x1bd: {  	_ =	swait.ge [sflag:s4], $0xA000  }
0x1be: {  	[sflag:s4] =	ssyncset.done $0x0  }
0x1bf: {  	[sflag:s4] =	ssyncadd.s32 $0xFFFF6000  }
0x1c0: {  	_ =	swait.ge [sflag:s8], $0xA000  }
0x1c1: {  	[sflag:s8] =	ssyncset.done $0x0  }
0x1c2: {  	[sflag:s8] =	ssyncadd.s32 $0xFFFF6000  }
0x1c3: {  	[tilespmem:s10], [sflag:$0x1] =	stream.indirect.gather [hbm4b:s3+s9], $0x80, s26, s9, $0xb8;
	[tilespmem:$0x15900] =	vst v63  }
0x1c4: {  	s28 =	rddreg [dreg:$0x9]  }
0x1c5: {  	[hbm4b:s28+s2] =	stream.linear.scatter [tilespmem:s7], [sflag:$0x3], $0xA000, $0x38;
	[tilespmem:$0x15900] =	vst v63  }
0x1c6: {  	_ =	swait.ge [sflag:s4], $0xA000  }
0x1c7: {  	[sflag:s4] =	ssyncset.done $0x0  }
0x1c8: {  	[sflag:s4] =	ssyncadd.s32 $0xFFFF6000  }
0x1c9: {  	_ =	swait.ge [sflag:s12], $0xA000  }
0x1ca: {  	[sflag:s12] =	ssyncset.done $0x0  }
0x1cb: {  	[sflag:s12] =	ssyncadd.s32 $0xFFFF6000  }
0x1cc: {  	[tilespmem:s7], [sflag:$0x2] =	stream.indirect.gather [hbm4b:s3+s9], $0x80, s25, s9, $0xb8;
	[tilespmem:$0x15900] =	vst v63  }
0x1cd: {  	s29 =	rddreg [dreg:$0xa]  }
0x1ce: {  	[hbm4b:s29+s2] =	stream.linear.scatter [tilespmem:s10], [sflag:$0x3], $0xA000, $0x38;
	[tilespmem:$0x15900] =	vst v63  }
0x1cf: {  	_ =	swait.ge [sflag:s4], $0xA000  }
0x1d0: {  	[sflag:s4] =	ssyncset.done $0x0  }
0x1d1: {  	[sflag:s4] =	ssyncadd.s32 $0xFFFF6000  }
0x1d2: {  	_ =	swait.ge [sflag:s8], $0xA000  }
0x1d3: {  	[sflag:s8] =	ssyncset.done $0x0  }
0x1d4: {  	[sflag:s8] =	ssyncadd.s32 $0xFFFF6000  }
0x1d5: {  	[tilespmem:s10], [sflag:$0x1] =	stream.indirect.gather [hbm4b:s3+s9], $0x80, s24, s9, $0xb8;
	[tilespmem:$0x15900] =	vst v63  }
0x1d6: {  	s30 =	rddreg [dreg:$0xb]  }
0x1d7: {  	[hbm4b:s30+s2] =	stream.linear.scatter [tilespmem:s7], [sflag:$0x3], $0xA000, $0x38;
	[tilespmem:$0x15900] =	vst v63  }
0x1d8: {  	_ =	swait.ge [sflag:s4], $0xA000  }
0x1d9: {  	[sflag:s4] =	ssyncset.done $0x0  }
0x1da: {  	[sflag:s4] =	ssyncadd.s32 $0xFFFF6000  }
0x1db: {  	_ =	swait.ge [sflag:s12], $0xA000  }
0x1dc: {  	[sflag:s12] =	ssyncset.done $0x0  }
0x1dd: {  	[sflag:s12] =	ssyncadd.s32 $0xFFFF6000  }
0x1de: {  	[tilespmem:s7], [sflag:$0x2] =	stream.indirect.gather [hbm4b:s3+s9], $0x80, s23, s9, $0xb8;
	[tilespmem:$0x15900] =	vst v63  }
0x1df: {  	s31 =	rddreg [dreg:$0xc]  }
0x1e0: {  	[hbm4b:s31+s2] =	stream.linear.scatter [tilespmem:s10], [sflag:$0x3], $0xA000, $0x38;
	[tilespmem:$0x15900] =	vst v63  }
0x1e1: {  	_ =	swait.ge [sflag:s4], $0xA000  }
0x1e2: {  	[sflag:s4] =	ssyncset.done $0x0  }
0x1e3: {  	[sflag:s4] =	ssyncadd.s32 $0xFFFF6000  }
0x1e4: {  	_ =	swait.ge [sflag:s8], $0xA000  }
0x1e5: {  	[sflag:s8] =	ssyncset.done $0x0  }
0x1e6: {  	[sflag:s8] =	ssyncadd.s32 $0xFFFF6000  }
0x1e7: {  	[tilespmem:s10], [sflag:$0x1] =	stream.indirect.gather [hbm4b:s3+s9], $0x80, s22, s9, $0xb8;
	[tilespmem:$0x15900] =	vst v63  }
0x1e8: {  	s1 =	rddreg [dreg:$0xd]  }
0x1e9: {  	[hbm4b:s1+s2] =	stream.linear.scatter [tilespmem:s7], [sflag:$0x3], $0xA000, $0x38;
	[tilespmem:$0x15900] =	vst v63  }
0x1ea: {  	_ =	swait.ge [sflag:s4], $0xA000  }
0x1eb: {  	[sflag:s4] =	ssyncset.done $0x0  }
0x1ec: {  	[sflag:s4] =	ssyncadd.s32 $0xFFFF6000  }
0x1ed: {  	_ =	swait.ge [sflag:s12], $0xA000  }
0x1ee: {  	[sflag:s12] =	ssyncset.done $0x0  }
0x1ef: {  	[sflag:s12] =	ssyncadd.s32 $0xFFFF6000  }
0x1f0: {  	[tilespmem:s7], [sflag:$0x2] =	stream.indirect.gather [hbm4b:s3+s9], $0x80, s21, s9, $0xb8;
	[tilespmem:$0x15900] =	vst v63  }
0x1f1: {  	s23 =	rddreg [dreg:$0xe]  }
0x1f2: {  	[hbm4b:s23+s2] =	stream.linear.scatter [tilespmem:s10], [sflag:$0x3], $0xA000, $0x38;
	[tilespmem:$0x15900] =	vst v63  }
0x1f3: {  	_ =	swait.ge [sflag:s4], $0xA000  }
0x1f4: {  	[sflag:s4] =	ssyncset.done $0x0  }
0x1f5: {  	[sflag:s4] =	ssyncadd.s32 $0xFFFF6000  }
0x1f6: {  	_ =	swait.ge [sflag:s8], $0xA000  }
0x1f7: {  	[sflag:s8] =	ssyncset.done $0x0  }
0x1f8: {  	[sflag:s8] =	ssyncadd.s32 $0xFFFF6000  }
0x1f9: {  	[tilespmem:s10], [sflag:$0x1] =	stream.indirect.gather [hbm4b:s3+s9], $0x80, s20, s9, $0xb8;
	[tilespmem:$0x15900] =	vst v63  }
0x1fa: {  	s24 =	rddreg [dreg:$0xf]  }
0x1fb: {  	[hbm4b:s24+s2] =	stream.linear.scatter [tilespmem:s7], [sflag:$0x3], $0xA000, $0x38;
	[tilespmem:$0x15900] =	vst v63  }
0x1fc: {  	_ =	swait.ge [sflag:s4], $0xA000  }
0x1fd: {  	[sflag:s4] =	ssyncset.done $0x0  }
0x1fe: {  	[sflag:s4] =	ssyncadd.s32 $0xFFFF6000  }
0x1ff: {  	_ =	swait.ge [sflag:s12], $0xA000  }
0x200: {  	[sflag:s12] =	ssyncset.done $0x0  }
0x201: {  	[sflag:s12] =	ssyncadd.s32 $0xFFFF6000  }
0x202: {  	[tilespmem:s7], [sflag:$0x2] =	stream.indirect.gather [hbm4b:s3+s9], $0x80, s19, s9, $0xb8;
	[tilespmem:$0x15900] =	vst v63  }
0x203: {  	s25 =	rddreg [dreg:$0x10]  }
0x204: {  	[hbm4b:s25+s2] =	stream.linear.scatter [tilespmem:s10], [sflag:$0x3], $0xA000, $0x38;
	[tilespmem:$0x15900] =	vst v63  }
0x205: {  	_ =	swait.ge [sflag:s4], $0xA000  }
0x206: {  	[sflag:s4] =	ssyncset.done $0x0  }
0x207: {  	[sflag:s4] =	ssyncadd.s32 $0xFFFF6000  }
0x208: {  	_ =	swait.ge [sflag:s8], $0xA000  }
0x209: {  	[sflag:s8] =	ssyncset.done $0x0  }
0x20a: {  	[sflag:s8] =	ssyncadd.s32 $0xFFFF6000  }
0x20b: {  	[tilespmem:s10], [sflag:$0x1] =	stream.indirect.gather [hbm4b:s3+s9], $0x80, s18, s9, $0xb8;
	[tilespmem:$0x15900] =	vst v63  }
0x20c: {  	s26 =	rddreg [dreg:$0x11]  }
0x20d: {  	[hbm4b:s26+s2] =	stream.linear.scatter [tilespmem:s7], [sflag:$0x3], $0xA000, $0x38;
	[tilespmem:$0x15900] =	vst v63  }
0x20e: {  	_ =	swait.ge [sflag:s4], $0xA000  }
0x20f: {  	[sflag:s4] =	ssyncset.done $0x0  }
0x210: {  	[sflag:s4] =	ssyncadd.s32 $0xFFFF6000  }
0x211: {  	_ =	swait.ge [sflag:s12], $0xA000  }
0x212: {  	[sflag:s12] =	ssyncset.done $0x0  }
0x213: {  	[sflag:s12] =	ssyncadd.s32 $0xFFFF6000  }
0x214: {  	[tilespmem:s7], [sflag:$0x2] =	stream.indirect.gather [hbm4b:s3+s9], $0x80, s17, s9, $0xb8;
	[tilespmem:$0x15900] =	vst v63  }
0x215: {  	s28 =	rddreg [dreg:$0x12]  }
0x216: {  	[hbm4b:s28+s2] =	stream.linear.scatter [tilespmem:s10], [sflag:$0x3], $0xA000, $0x38;
	[tilespmem:$0x15900] =	vst v63  }
0x217: {  	_ =	swait.ge [sflag:s4], $0xA000  }
0x218: {  	[sflag:s4] =	ssyncset.done $0x0  }
0x219: {  	[sflag:s4] =	ssyncadd.s32 $0xFFFF6000  }
0x21a: {  	_ =	swait.ge [sflag:s8], $0xA000  }
0x21b: {  	[sflag:s8] =	ssyncset.done $0x0  }
0x21c: {  	[sflag:s8] =	ssyncadd.s32 $0xFFFF6000  }
0x21d: {  	[tilespmem:s10], [sflag:$0x1] =	stream.indirect.gather [hbm4b:s3+s9], $0x80, s16, s9, $0xb8;
	[tilespmem:$0x15900] =	vst v63  }
0x21e: {  	s29 =	rddreg [dreg:$0x13]  }
0x21f: {  	[hbm4b:s29+s2] =	stream.linear.scatter [tilespmem:s7], [sflag:$0x3], $0xA000, $0x38;
	[tilespmem:$0x15900] =	vst v63  }
0x220: {  	_ =	swait.ge [sflag:s4], $0xA000  }
0x221: {  	[sflag:s4] =	ssyncset.done $0x0  }
0x222: {  	[sflag:s4] =	ssyncadd.s32 $0xFFFF6000  }
0x223: {  	_ =	swait.ge [sflag:s12], $0xA000  }
0x224: {  	[sflag:s12] =	ssyncset.done $0x0  }
0x225: {  	[sflag:s12] =	ssyncadd.s32 $0xFFFF6000  }
0x226: {  	[tilespmem:s7], [sflag:$0x2] =	stream.indirect.gather [hbm4b:s3+s9], $0x80, s15, s9, $0xb8;
	[tilespmem:$0x15900] =	vst v63  }
0x227: {  	s30 =	rddreg [dreg:$0x14]  }
0x228: {  	[hbm4b:s30+s2] =	stream.linear.scatter [tilespmem:s10], [sflag:$0x3], $0xA000, $0x38;
	[tilespmem:$0x15900] =	vst v63  }
0x229: {  	_ =	swait.ge [sflag:s4], $0xA000  }
0x22a: {  	[sflag:s4] =	ssyncset.done $0x0  }
0x22b: {  	[sflag:s4] =	ssyncadd.s32 $0xFFFF6000  }
0x22c: {  	_ =	swait.ge [sflag:s8], $0xA000  }
0x22d: {  	[sflag:s8] =	ssyncset.done $0x0  }
0x22e: {  	[sflag:s8] =	ssyncadd.s32 $0xFFFF6000  }
0x22f: {  	[tilespmem:s10], [sflag:$0x1] =	stream.indirect.gather [hbm4b:s3+s9], $0x80, s14, s9, $0xb8;
	[tilespmem:$0x15900] =	vst v63  }
0x230: {  	_ = 	snop  }
0x231: {  	[hbm4b:s11+s2] =	stream.linear.scatter [tilespmem:s7], [sflag:$0x3], $0xA000, $0x38;
	[tilespmem:$0x15900] =	vst v63  }
0x232: {  	_ =	swait.ge [sflag:s4], $0xA000  }
0x233: {  	[sflag:s4] =	ssyncset.done $0x0  }
0x234: {  	[sflag:s4] =	ssyncadd.s32 $0xFFFF6000  }
0x235: {  	_ =	swait.ge [sflag:s12], $0xA000  }
0x236: {  	[sflag:s12] =	ssyncset.done $0x0  }
0x237: {  	[sflag:s12] =	ssyncadd.s32 $0xFFFF6000  }
0x238: {  	[tilespmem:s7], [sflag:$0x2] =	stream.indirect.gather [hbm4b:s3+s9], $0x80, s13, s9, $0xb8;
	[tilespmem:$0x15900] =	vst v63  }
0x239: {  	_ = 	snop  }
0x23a: {  	[hbm4b:s6+s2] =	stream.linear.scatter [tilespmem:s10], [sflag:$0x3], $0xA000, $0x38;
	[tilespmem:$0x15900] =	vst v63  }
0x23b: {  	_ =	swait.ge [sflag:s4], $0xA000  }
0x23c: {  	[sflag:s4] =	ssyncset.done $0x0  }
0x23d: {  	[sflag:s4] =	ssyncadd.s32 $0xFFFF6000  }
0x23e: {  	_ =	swait.ge [sflag:s8], $0xA000  }
0x23f: {  	[sflag:s8] =	ssyncset.done $0x0  }
0x240: {  	[sflag:s8] =	ssyncadd.s32 $0xFFFF6000  }
0x241: {  	[hbm4b:s5+s2] =	stream.linear.scatter [tilespmem:s7], [sflag:$0x3], $0xA000, $0x38;
	[tilespmem:$0x15900] =	vst v63  }
0x242: {  	_ =	swait.ge [sflag:s4], $0xA000  }
0x243: {  	[sflag:s4] =	ssyncset.done $0x0  }
0x244: {  	[sflag:s4] =	ssyncadd.s32 $0xFFFF6000  }
0x245: {  	_ =	sfence.sel $0x180000  }
0x246: {  	[bflag:$0x0] =	sbarrier.arrive $0xFFFF  }
0x247: {  	_ =	strace $0x90000047  }
0x248: {  	s31 =	stileid.u32;
	[bflag:$0x2] =	sbarrier.arrive $0xFFFF  }
0x249: {  	p0 =	sne.s32 s31, $0x0;
	s0 =	rddreg [dreg:$0x2]  }
0x24a: {  	s0 =	sadd.s32 @!p0 $0x100000, s0  }
0x24b: {  	[sflag:s0] =	ssyncadd.tile.s32 @!p0 $0x1;
	_ =	shalt  }
.Lfunc_end2:
_tile_overlayer_lowered:
.L_overlay_start_2:
0x24c: {  	(tag) =	ssettag $0x2  }
0x24d: {  	s0 =	rddreg [dreg:$0x0];
	s2 =	stileid.u32  }
0x24e: {  	s1 =	rddreg [dreg:$0x1];
	p0 =	sne.s32 s2, $0x0  }
0x24f: {  	s3 =	rddreg [dreg:$0x2];
	[bflag:$0x3] =	sbarrier.arrive $0xFFFF;
	s2 =	simm.s32 @!p0 $0x1C03  }
0x250: {  	[timem:s3], [sflag:s2] =	dma.local @!p0 [hbm:s0], s1  }
0x251: {  	s0 =	simm.s32 @!p0 $0x3  }
0x252: {  	_ =	swait.ge @!p0 [sflag:s0], s1  }
0x253: {  	s1 =	ssub.s32 @!p0 $0x0, s1;
	[sflag:s0] =	ssyncset.done @!p0 $0x0  }
0x254: {  	[sflag:s0] =	ssyncadd.s32 @!p0 s1  }
0x255: {  	[bflag:$0x3] =	sbarrier.arrive $0xFFFF  }
0x256: {  	_ =	shalt  }

</sc_bundles>
